<compile_context>
chip_gen: v7x
topology: tpu7x:2x2x1
jax: 0.10.2.dev20260603
libtpu: 0.0.44.dev20260713+nightly
codegen_flags: <defaults>
</compile_context>

<pallas_src>
import functools

import jax
import jax.numpy as jnp
from jax import lax
from jax.experimental import pallas as pl
from jax.experimental.layout import Layout, with_layout_constraint
from jax.experimental.pallas import tpu as pltpu
from jax.experimental.pallas import tpu_sc as plsc

_BATCH = 16384
_DIM = 2
_NROWS = 1000000
_MAIN = 999936
_NTAIL = _NROWS - _MAIN
_NC = 2
_NS = 16
_LANES = 16
_NW = _NC * _NS
_BPW = _BATCH // _NW
_CHUNK = 128
_NCHUNK = _BPW // _CHUNK
_TU = _LANES
_TI = _LANES + 2 * _NTAIL
_SIDE = _LANES + 4 * _NTAIL


def _sc_body(users_hbm, items_hbm, uef_hbm, ief_hbm, side_hbm, out_hbm,
             idx_u, idx_i, fu0, fu1, fi0, fi1, u0, u1, i0, i1,
             side_v, out_v, sem):
    wid = lax.axis_index("s") * _NC + lax.axis_index("c")
    base = wid * _BPW

    stage = [
        pltpu.async_copy(users_hbm.at[pl.ds(base, _BPW)], idx_u, sem),
        pltpu.async_copy(items_hbm.at[pl.ds(base, _BPW)], idx_i, sem),
        pltpu.async_copy(side_hbm, side_v, sem),
    ]
    for c in stage:
        c.wait()

    copies = []
    for j in range(_NCHUNK):
        csl = pl.ds(j * _CHUNK, _CHUNK)

        def mkidx(k, _, j=j):
            sl = pl.ds(j * _CHUNK + k * _LANES, _LANES)
            ru = idx_u[sl]
            ri = idx_i[sl]
            rum = jnp.where(ru < _MAIN, ru, 0)
            rim = jnp.where(ri < _MAIN, ri, 0)
            bu = lax.shift_right_logical(rum, 7) * 256 + (rum & 127)
            bi = lax.shift_right_logical(rim, 7) * 256 + (rim & 127)
            fu0[sl] = bu
            fu1[sl] = bu + 128
            fi0[sl] = bi
            fi1[sl] = bi + 128
            return 0

        lax.fori_loop(0, _CHUNK // _LANES, mkidx, 0, unroll=4)
        copies.append(pltpu.async_copy(uef_hbm.at[fu0.at[csl]], u0.at[csl], sem))
        copies.append(pltpu.async_copy(uef_hbm.at[fu1.at[csl]], u1.at[csl], sem))
        copies.append(pltpu.async_copy(ief_hbm.at[fi0.at[csl]], i0.at[csl], sem))
        copies.append(pltpu.async_copy(ief_hbm.at[fi1.at[csl]], i1.at[csl], sem))
    for c in copies:
        c.wait()

    wv = side_v[pl.ds(0, _LANES)]
    w0 = wv[0]
    w1 = wv[1]
    bias = wv[2]

    def step(k, _):
        sl = pl.ds(k * _LANES, _LANES)
        ru = idx_u[sl]
        ri = idx_i[sl]
        in_u = ru < _MAIN
        in_i = ri < _MAIN
        tu = jnp.where(in_u, _MAIN, ru) - _MAIN
        ti = jnp.where(in_i, _MAIN, ri) - _MAIN
        tu0 = plsc.load_gather(side_v, [tu + _TU])
        tu1 = plsc.load_gather(side_v, [tu + (_TU + _NTAIL)])
        ti0 = plsc.load_gather(side_v, [ti + _TI])
        ti1 = plsc.load_gather(side_v, [ti + (_TI + _NTAIL)])
        u0v = jnp.where(in_u, u0[sl], tu0)
        u1v = jnp.where(in_u, u1[sl], tu1)
        i0v = jnp.where(in_i, i0[sl], ti0)
        i1v = jnp.where(in_i, i1[sl], ti1)
        out_v[sl] = (u0v + i0v) * w0 + (u1v + i1v) * w1 + bias
        return 0

    lax.fori_loop(0, _BPW // _LANES, step, 0, unroll=2)

    pltpu.sync_copy(out_v, out_hbm.at[pl.ds(base, _BPW)])


_sc_kernel = functools.partial(
    pl.kernel,
    out_type=jax.ShapeDtypeStruct((_BATCH,), jnp.float32),
    mesh=plsc.VectorSubcoreMesh(core_axis_name="c", subcore_axis_name="s",
                                num_cores=_NC, num_subcores=_NS),
    scratch_types=[
        pltpu.VMEM((_BPW,), jnp.int32),
        pltpu.VMEM((_BPW,), jnp.int32),
        pltpu.VMEM((_BPW,), jnp.int32),
        pltpu.VMEM((_BPW,), jnp.int32),
        pltpu.VMEM((_BPW,), jnp.int32),
        pltpu.VMEM((_BPW,), jnp.int32),
        pltpu.VMEM((_BPW,), jnp.float32),
        pltpu.VMEM((_BPW,), jnp.float32),
        pltpu.VMEM((_BPW,), jnp.float32),
        pltpu.VMEM((_BPW,), jnp.float32),
        pltpu.VMEM((_SIDE,), jnp.float32),
        pltpu.VMEM((_BPW,), jnp.float32),
        pltpu.SemaphoreType.DMA,
    ],
    compiler_params=pltpu.CompilerParams(use_tc_tiling_on_sc=False,
                                         needs_layout_passes=False),
)(_sc_body)

_B = _MAIN // 128


def _native_view(table):
    m = table[:_MAIN]
    y = with_layout_constraint(
        m.reshape(_B, 128, _DIM),
        Layout(major_to_minor=(0, 2, 1), tiling=((2, 128),)))
    z = with_layout_constraint(
        y.transpose(0, 2, 1),
        Layout(major_to_minor=(0, 1, 2), tiling=((2, 128),)))
    flat = z.reshape(_B * 128 * _DIM)
    tail = jnp.ravel(table[_MAIN:].T)
    return flat, tail


def kernel(users, items, UE, IE, FC_W, FC_b):
    uef, tailu = _native_view(UE)
    ief, taili = _native_view(IE)
    side = jnp.concatenate(
        [FC_W.reshape(_DIM), FC_b,
         jnp.zeros((_LANES - _DIM - 1,), jnp.float32), tailu, taili])
    out = _sc_kernel(users, items, uef, ief, side)
    return out.reshape(_BATCH, 1)

# --- scband reference (transcript-rebuilt; emitter-appended) ---
"""Pipeline reference for scband-model-22136261444368 (READ-ONLY COPY).

The authoritative reference and input builder live on the scoring server;
editing this copy changes nothing except your own understanding.
"""

import jax, jax.numpy as jnp
import numpy as np

NUM_USERS = 1000000
NUM_ITEMS = 1000000
EMBED_DIM = 2
BATCH = 16384


def setup_inputs(seed: int = 0) -> dict:
    key = jax.random.key(seed)
    k_u, k_i, k_ue, k_ie, k_w, k_b = jax.random.split(key, 6)
    users = jax.random.randint(k_u, (BATCH,), 0, NUM_USERS, dtype=jnp.int64 if jax.config.jax_enable_x64 else jnp.int32).astype(jnp.int32)
    items = jax.random.randint(k_i, (BATCH,), 0, NUM_ITEMS, dtype=jnp.int64 if jax.config.jax_enable_x64 else jnp.int32).astype(jnp.int32)
    UE = jax.random.normal(k_ue, (NUM_USERS, EMBED_DIM), dtype=jnp.float32)
    IE = jax.random.normal(k_ie, (NUM_ITEMS, EMBED_DIM), dtype=jnp.float32)
    # nn.Linear(2, 1): weight [1, 2], bias [1]
    FC_W = jax.random.normal(k_w, (1, EMBED_DIM), dtype=jnp.float32) * (1.0 / np.sqrt(EMBED_DIM))
    FC_b = jax.random.normal(k_b, (1,), dtype=jnp.float32) * (1.0 / np.sqrt(EMBED_DIM))
    return {"users": users, "items": items, "UE": UE, "IE": IE, "FC_W": FC_W, "FC_b": FC_b}


def reference(users, items, UE, IE, FC_W, FC_b):
    ue = jnp.take(UE, users, axis=0)  # [B, 2]
    ie = jnp.take(IE, items, axis=0)  # [B, 2]
    s = ue + ie  # [B, 2]
    out = s @ FC_W.T + FC_b  # [B, 1]
    return out

if __name__ == "__main__":
    import jax
    _d = setup_inputs()
    print(jax.jit(kernel)(*tuple(_d.values())))

</pallas_src>

<mosaic_0001>
#map = affine_map<(d0, d1) -> (0)>
module attributes {stable_mosaic.version = 14 : i64} {
  func.func @_sc_body(%arg0: i32, %arg1: i32, %arg2: memref<16384xi32, #tpu.memory_space<hbm>>, %arg3: memref<16384xi32, #tpu.memory_space<hbm>>, %arg4: memref<1999872xf32, #tpu.memory_space<hbm>>, %arg5: memref<1999872xf32, #tpu.memory_space<hbm>>, %arg6: memref<272xf32, #tpu.memory_space<hbm>>, %arg7: memref<16384xf32, #tpu.memory_space<hbm>>, %arg8: memref<512xi32, #tpu.memory_space<vmem>>, %arg9: memref<512xi32, #tpu.memory_space<vmem>>, %arg10: memref<512xi32, #tpu.memory_space<vmem>>, %arg11: memref<512xi32, #tpu.memory_space<vmem>>, %arg12: memref<512xi32, #tpu.memory_space<vmem>>, %arg13: memref<512xi32, #tpu.memory_space<vmem>>, %arg14: memref<512xf32, #tpu.memory_space<vmem>>, %arg15: memref<512xf32, #tpu.memory_space<vmem>>, %arg16: memref<512xf32, #tpu.memory_space<vmem>>, %arg17: memref<512xf32, #tpu.memory_space<vmem>>, %arg18: memref<272xf32, #tpu.memory_space<vmem>>, %arg19: memref<512xf32, #tpu.memory_space<vmem>>, %arg20: memref<!tpu.dma_semaphore, #tpu.memory_space<semaphore_mem>>) attributes {dimension_semantics = [#tpu.dimension_semantics<core_parallel>, #tpu.dimension_semantics<subcore_parallel>], iteration_bounds = array<i64: 2, 16>, scalar_prefetch = 0 : i64, scratch_operands = 13 : i64, tpu.core_type = #tpu.core_type<sc_vector_subcore>, window_params = [{transform_indices = #map}, {transform_indices = #map}, {transform_indices = #map}, {transform_indices = #map}, {transform_indices = #map}, {transform_indices = #map}]} {
    %mul3A = arith.constant 2 : i32
    %mul3A_0 = arith.muli %arg1, %mul3A : i32
    %add3A = arith.addi %mul3A_0, %arg0 : i32
    %mul3A_1 = arith.constant 512 : i32
    %mul3A_2 = arith.muli %add3A, %mul3A_1 : i32
    %dma_start3A = tpu.memref_slice %arg2[%mul3A_2] : memref<16384xi32, #tpu.memory_space<hbm>> -> memref<512xi32, #tpu.memory_space<hbm>>
    %dma_start3A_3 = tpu.memref_slice %arg2[%mul3A_2] : memref<16384xi32, #tpu.memory_space<hbm>> -> memref<512xi32, #tpu.memory_space<hbm>>
    tpu.enqueue_dma source(%dma_start3A_3 : memref<512xi32, #tpu.memory_space<hbm>>) target(%arg8 : memref<512xi32, #tpu.memory_space<vmem>>) target_semaphore(%arg20 : memref<!tpu.dma_semaphore, #tpu.memory_space<semaphore_mem>>)
    %dma_start3A_4 = tpu.memref_slice %arg3[%mul3A_2] : memref<16384xi32, #tpu.memory_space<hbm>> -> memref<512xi32, #tpu.memory_space<hbm>>
    %dma_start3A_5 = tpu.memref_slice %arg3[%mul3A_2] : memref<16384xi32, #tpu.memory_space<hbm>> -> memref<512xi32, #tpu.memory_space<hbm>>
    tpu.enqueue_dma source(%dma_start3A_5 : memref<512xi32, #tpu.memory_space<hbm>>) target(%arg9 : memref<512xi32, #tpu.memory_space<vmem>>) target_semaphore(%arg20 : memref<!tpu.dma_semaphore, #tpu.memory_space<semaphore_mem>>)
    tpu.enqueue_dma source(%arg6 : memref<272xf32, #tpu.memory_space<hbm>>) target(%arg18 : memref<272xf32, #tpu.memory_space<vmem>>) target_semaphore(%arg20 : memref<!tpu.dma_semaphore, #tpu.memory_space<semaphore_mem>>)
    %dma_wait3A = tpu.memref_slice %arg2[%mul3A_2] : memref<16384xi32, #tpu.memory_space<hbm>> -> memref<512xi32, #tpu.memory_space<hbm>>
    %dma_wait3A_6 = tpu.memref_slice %arg2[%mul3A_2] : memref<16384xi32, #tpu.memory_space<hbm>> -> memref<512xi32, #tpu.memory_space<hbm>>
    tpu.wait_dma2 semaphore(%arg20 : memref<!tpu.dma_semaphore, #tpu.memory_space<semaphore_mem>>) src(%dma_wait3A_6 : memref<512xi32, #tpu.memory_space<hbm>>) dst(%arg8 : memref<512xi32, #tpu.memory_space<vmem>>)
    %dma_wait3A_7 = tpu.memref_slice %arg3[%mul3A_2] : memref<16384xi32, #tpu.memory_space<hbm>> -> memref<512xi32, #tpu.memory_space<hbm>>
    %dma_wait3A_8 = tpu.memref_slice %arg3[%mul3A_2] : memref<16384xi32, #tpu.memory_space<hbm>> -> memref<512xi32, #tpu.memory_space<hbm>>
    tpu.wait_dma2 semaphore(%arg20 : memref<!tpu.dma_semaphore, #tpu.memory_space<semaphore_mem>>) src(%dma_wait3A_8 : memref<512xi32, #tpu.memory_space<hbm>>) dst(%arg9 : memref<512xi32, #tpu.memory_space<vmem>>)
    tpu.wait_dma2 semaphore(%arg20 : memref<!tpu.dma_semaphore, #tpu.memory_space<semaphore_mem>>) src(%arg6 : memref<272xf32, #tpu.memory_space<hbm>>) dst(%arg18 : memref<272xf32, #tpu.memory_space<vmem>>)
    %scan3A = arith.constant 0 : i32
    %scan3A_9 = arith.constant 0 : i32
    %scan3A_10 = arith.constant 8 : i32
    %scan3A_11 = arith.addi %scan3A_9, %scan3A_10 : i32
    %scan3A_12 = arith.constant 4 : i32
    %scan3A_13 = scf.for %scan3A_240 = %scan3A_9 to %scan3A_11 step %scan3A_12 iter_args(%scan3A_241 = %scan3A) -> (i32)  : i32 {
      %mul3A_242 = arith.constant 16 : i32
      %mul3A_243 = arith.muli %scan3A_240, %mul3A_242 : i32
      %add3A_244 = arith.constant 0 : i32
      %add3A_245 = arith.addi %add3A_244, %mul3A_243 : i32
      %get3A_246 = arith.index_cast %add3A_245 : i32 to index
      %get3A_247 = tpu.vector_load %arg8[%get3A_246] {strides = array<i32>} : memref<512xi32, #tpu.memory_space<vmem>>, vector<16xi32>,
      %get3A_248 = arith.index_cast %add3A_245 : i32 to index
      %get3A_249 = tpu.vector_load %arg9[%get3A_248] {strides = array<i32>} : memref<512xi32, #tpu.memory_space<vmem>>, vector<16xi32>,
      %lt3A = arith.constant 999936 : i32
      %lt3A_250 = vector.broadcast %lt3A : i32 to vector<16xi32>
      %lt3A_251 = arith.cmpi slt, %get3A_247, %lt3A_250 : vector<16xi32>
      %jit3A = arith.constant 0 : i32
      %broadcast_in_dim3A = vector.broadcast %jit3A : i32 to vector<16xi32>
      %select_n3A = arith.select %lt3A_251, %get3A_247, %broadcast_in_dim3A : vector<16xi1>, vector<16xi32>
      %lt3A_252 = arith.constant 999936 : i32
      %lt3A_253 = vector.broadcast %lt3A_252 : i32 to vector<16xi32>
      %lt3A_254 = arith.cmpi slt, %get3A_249, %lt3A_253 : vector<16xi32>
      %jit3A_255 = arith.constant 0 : i32
      %broadcast_in_dim3A_256 = vector.broadcast %jit3A_255 : i32 to vector<16xi32>
      %select_n3A_257 = arith.select %lt3A_254, %get3A_249, %broadcast_in_dim3A_256 : vector<16xi1>, vector<16xi32>
      %shift_right_logical3A = arith.constant 7 : i32
      %shift_right_logical3A_258 = vector.broadcast %shift_right_logical3A : i32 to vector<16xi32>
      %shift_right_logical3A_259 = arith.shrui %select_n3A, %shift_right_logical3A_258 : vector<16xi32>
      %mul3A_260 = arith.constant 256 : i32
      %mul3A_261 = vector.broadcast %mul3A_260 : i32 to vector<16xi32>
      %mul3A_262 = arith.muli %shift_right_logical3A_259, %mul3A_261 : vector<16xi32>
      %and3A = arith.constant 127 : i32
      %and3A_263 = vector.broadcast %and3A : i32 to vector<16xi32>
      %and3A_264 = arith.andi %select_n3A, %and3A_263 : vector<16xi32>
      %add3A_265 = arith.addi %mul3A_262, %and3A_264 : vector<16xi32>
      %shift_right_logical3A_266 = arith.constant 7 : i32
      %shift_right_logical3A_267 = vector.broadcast %shift_right_logical3A_266 : i32 to vector<16xi32>
      %shift_right_logical3A_268 = arith.shrui %select_n3A_257, %shift_right_logical3A_267 : vector<16xi32>
      %mul3A_269 = arith.constant 256 : i32
      %mul3A_270 = vector.broadcast %mul3A_269 : i32 to vector<16xi32>
      %mul3A_271 = arith.muli %shift_right_logical3A_268, %mul3A_270 : vector<16xi32>
      %and3A_272 = arith.constant 127 : i32
      %and3A_273 = vector.broadcast %and3A_272 : i32 to vector<16xi32>
      %and3A_274 = arith.andi %select_n3A_257, %and3A_273 : vector<16xi32>
      %add3A_275 = arith.addi %mul3A_271, %and3A_274 : vector<16xi32>
      %swap3A = arith.index_cast %add3A_245 : i32 to index
      %swap3A_276 = tpu.vector_load %arg10[%swap3A] {strides = array<i32>} : memref<512xi32, #tpu.memory_space<vmem>>, vector<16xi32>,
      tpu.vector_store %arg10[%swap3A], %add3A_265 {strides = array<i32>} : memref<512xi32, #tpu.memory_space<vmem>>, vector<16xi32>,
      %add3A_277 = arith.constant 128 : i32
      %add3A_278 = vector.broadcast %add3A_277 : i32 to vector<16xi32>
      %add3A_279 = arith.addi %add3A_265, %add3A_278 : vector<16xi32>
      %swap3A_280 = arith.index_cast %add3A_245 : i32 to index
      %swap3A_281 = tpu.vector_load %arg11[%swap3A_280] {strides = array<i32>} : memref<512xi32, #tpu.memory_space<vmem>>, vector<16xi32>,
      tpu.vector_store %arg11[%swap3A_280], %add3A_279 {strides = array<i32>} : memref<512xi32, #tpu.memory_space<vmem>>, vector<16xi32>,
      %swap3A_282 = arith.index_cast %add3A_245 : i32 to index
      %swap3A_283 = tpu.vector_load %arg12[%swap3A_282] {strides = array<i32>} : memref<512xi32, #tpu.memory_space<vmem>>, vector<16xi32>,
      tpu.vector_store %arg12[%swap3A_282], %add3A_275 {strides = array<i32>} : memref<512xi32, #tpu.memory_space<vmem>>, vector<16xi32>,
      %add3A_284 = arith.constant 128 : i32
      %add3A_285 = vector.broadcast %add3A_284 : i32 to vector<16xi32>
      %add3A_286 = arith.addi %add3A_275, %add3A_285 : vector<16xi32>
      %swap3A_287 = arith.index_cast %add3A_245 : i32 to index
      %swap3A_288 = tpu.vector_load %arg13[%swap3A_287] {strides = array<i32>} : memref<512xi32, #tpu.memory_space<vmem>>, vector<16xi32>,
      tpu.vector_store %arg13[%swap3A_287], %add3A_286 {strides = array<i32>} : memref<512xi32, #tpu.memory_space<vmem>>, vector<16xi32>,
      %scan3A_289 = arith.constant 0 : i32
      %scan3A_290 = arith.constant 1 : i32
      %scan3A_291 = arith.addi %scan3A_240, %scan3A_290 : i32
      %mul3A_292 = arith.constant 16 : i32
      %mul3A_293 = arith.muli %scan3A_291, %mul3A_292 : i32
      %add3A_294 = arith.constant 0 : i32
      %add3A_295 = arith.addi %add3A_294, %mul3A_293 : i32
      %get3A_296 = arith.index_cast %add3A_295 : i32 to index
      %get3A_297 = tpu.vector_load %arg8[%get3A_296] {strides = array<i32>} : memref<512xi32, #tpu.memory_space<vmem>>, vector<16xi32>,
      %get3A_298 = arith.index_cast %add3A_295 : i32 to index
      %get3A_299 = tpu.vector_load %arg9[%get3A_298] {strides = array<i32>} : memref<512xi32, #tpu.memory_space<vmem>>, vector<16xi32>,
      %lt3A_300 = arith.constant 999936 : i32
      %lt3A_301 = vector.broadcast %lt3A_300 : i32 to vector<16xi32>
      %lt3A_302 = arith.cmpi slt, %get3A_297, %lt3A_301 : vector<16xi32>
      %jit3A_303 = arith.constant 0 : i32
      %broadcast_in_dim3A_304 = vector.broadcast %jit3A_303 : i32 to vector<16xi32>
      %select_n3A_305 = arith.select %lt3A_302, %get3A_297, %broadcast_in_dim3A_304 : vector<16xi1>, vector<16xi32>
      %lt3A_306 = arith.constant 999936 : i32
      %lt3A_307 = vector.broadcast %lt3A_306 : i32 to vector<16xi32>
      %lt3A_308 = arith.cmpi slt, %get3A_299, %lt3A_307 : vector<16xi32>
      %jit3A_309 = arith.constant 0 : i32
      %broadcast_in_dim3A_310 = vector.broadcast %jit3A_309 : i32 to vector<16xi32>
      %select_n3A_311 = arith.select %lt3A_308, %get3A_299, %broadcast_in_dim3A_310 : vector<16xi1>, vector<16xi32>
      %shift_right_logical3A_312 = arith.constant 7 : i32
      %shift_right_logical3A_313 = vector.broadcast %shift_right_logical3A_312 : i32 to vector<16xi32>
      %shift_right_logical3A_314 = arith.shrui %select_n3A_305, %shift_right_logical3A_313 : vector<16xi32>
      %mul3A_315 = arith.constant 256 : i32
      %mul3A_316 = vector.broadcast %mul3A_315 : i32 to vector<16xi32>
      %mul3A_317 = arith.muli %shift_right_logical3A_314, %mul3A_316 : vector<16xi32>
      %and3A_318 = arith.constant 127 : i32
      %and3A_319 = vector.broadcast %and3A_318 : i32 to vector<16xi32>
      %and3A_320 = arith.andi %select_n3A_305, %and3A_319 : vector<16xi32>
      %add3A_321 = arith.addi %mul3A_317, %and3A_320 : vector<16xi32>
      %shift_right_logical3A_322 = arith.constant 7 : i32
      %shift_right_logical3A_323 = vector.broadcast %shift_right_logical3A_322 : i32 to vector<16xi32>
      %shift_right_logical3A_324 = arith.shrui %select_n3A_311, %shift_right_logical3A_323 : vector<16xi32>
      %mul3A_325 = arith.constant 256 : i32
      %mul3A_326 = vector.broadcast %mul3A_325 : i32 to vector<16xi32>
      %mul3A_327 = arith.muli %shift_right_logical3A_324, %mul3A_326 : vector<16xi32>
      %and3A_328 = arith.constant 127 : i32
      %and3A_329 = vector.broadcast %and3A_328 : i32 to vector<16xi32>
      %and3A_330 = arith.andi %select_n3A_311, %and3A_329 : vector<16xi32>
      %add3A_331 = arith.addi %mul3A_327, %and3A_330 : vector<16xi32>
      %swap3A_332 = arith.index_cast %add3A_295 : i32 to index
      %swap3A_333 = tpu.vector_load %arg10[%swap3A_332] {strides = array<i32>} : memref<512xi32, #tpu.memory_space<vmem>>, vector<16xi32>,
      tpu.vector_store %arg10[%swap3A_332], %add3A_321 {strides = array<i32>} : memref<512xi32, #tpu.memory_space<vmem>>, vector<16xi32>,
      %add3A_334 = arith.constant 128 : i32
      %add3A_335 = vector.broadcast %add3A_334 : i32 to vector<16xi32>
      %add3A_336 = arith.addi %add3A_321, %add3A_335 : vector<16xi32>
      %swap3A_337 = arith.index_cast %add3A_295 : i32 to index
      %swap3A_338 = tpu.vector_load %arg11[%swap3A_337] {strides = array<i32>} : memref<512xi32, #tpu.memory_space<vmem>>, vector<16xi32>,
      tpu.vector_store %arg11[%swap3A_337], %add3A_336 {strides = array<i32>} : memref<512xi32, #tpu.memory_space<vmem>>, vector<16xi32>,
      %swap3A_339 = arith.index_cast %add3A_295 : i32 to index
      %swap3A_340 = tpu.vector_load %arg12[%swap3A_339] {strides = array<i32>} : memref<512xi32, #tpu.memory_space<vmem>>, vector<16xi32>,
      tpu.vector_store %arg12[%swap3A_339], %add3A_331 {strides = array<i32>} : memref<512xi32, #tpu.memory_space<vmem>>, vector<16xi32>,
      %add3A_341 = arith.constant 128 : i32
      %add3A_342 = vector.broadcast %add3A_341 : i32 to vector<16xi32>
      %add3A_343 = arith.addi %add3A_331, %add3A_342 : vector<16xi32>
      %swap3A_344 = arith.index_cast %add3A_295 : i32 to index
      %swap3A_345 = tpu.vector_load %arg13[%swap3A_344] {strides = array<i32>} : memref<512xi32, #tpu.memory_space<vmem>>, vector<16xi32>,
      tpu.vector_store %arg13[%swap3A_344], %add3A_343 {strides = array<i32>} : memref<512xi32, #tpu.memory_space<vmem>>, vector<16xi32>,
      %scan3A_346 = arith.constant 0 : i32
      %scan3A_347 = arith.constant 2 : i32
      %scan3A_348 = arith.addi %scan3A_240, %scan3A_347 : i32
      %mul3A_349 = arith.constant 16 : i32
      %mul3A_350 = arith.muli %scan3A_348, %mul3A_349 : i32
      %add3A_351 = arith.constant 0 : i32
      %add3A_352 = arith.addi %add3A_351, %mul3A_350 : i32
      %get3A_353 = arith.index_cast %add3A_352 : i32 to index
      %get3A_354 = tpu.vector_load %arg8[%get3A_353] {strides = array<i32>} : memref<512xi32, #tpu.memory_space<vmem>>, vector<16xi32>,
      %get3A_355 = arith.index_cast %add3A_352 : i32 to index
      %get3A_356 = tpu.vector_load %arg9[%get3A_355] {strides = array<i32>} : memref<512xi32, #tpu.memory_space<vmem>>, vector<16xi32>,
      %lt3A_357 = arith.constant 999936 : i32
      %lt3A_358 = vector.broadcast %lt3A_357 : i32 to vector<16xi32>
      %lt3A_359 = arith.cmpi slt, %get3A_354, %lt3A_358 : vector<16xi32>
      %jit3A_360 = arith.constant 0 : i32
      %broadcast_in_dim3A_361 = vector.broadcast %jit3A_360 : i32 to vector<16xi32>
      %select_n3A_362 = arith.select %lt3A_359, %get3A_354, %broadcast_in_dim3A_361 : vector<16xi1>, vector<16xi32>
      %lt3A_363 = arith.constant 999936 : i32
      %lt3A_364 = vector.broadcast %lt3A_363 : i32 to vector<16xi32>
      %lt3A_365 = arith.cmpi slt, %get3A_356, %lt3A_364 : vector<16xi32>
      %jit3A_366 = arith.constant 0 : i32
      %broadcast_in_dim3A_367 = vector.broadcast %jit3A_366 : i32 to vector<16xi32>
      %select_n3A_368 = arith.select %lt3A_365, %get3A_356, %broadcast_in_dim3A_367 : vector<16xi1>, vector<16xi32>
      %shift_right_logical3A_369 = arith.constant 7 : i32
      %shift_right_logical3A_370 = vector.broadcast %shift_right_logical3A_369 : i32 to vector<16xi32>
      %shift_right_logical3A_371 = arith.shrui %select_n3A_362, %shift_right_logical3A_370 : vector<16xi32>
      %mul3A_372 = arith.constant 256 : i32
      %mul3A_373 = vector.broadcast %mul3A_372 : i32 to vector<16xi32>
      %mul3A_374 = arith.muli %shift_right_logical3A_371, %mul3A_373 : vector<16xi32>
      %and3A_375 = arith.constant 127 : i32
      %and3A_376 = vector.broadcast %and3A_375 : i32 to vector<16xi32>
      %and3A_377 = arith.andi %select_n3A_362, %and3A_376 : vector<16xi32>
      %add3A_378 = arith.addi %mul3A_374, %and3A_377 : vector<16xi32>
      %shift_right_logical3A_379 = arith.constant 7 : i32
      %shift_right_logical3A_380 = vector.broadcast %shift_right_logical3A_379 : i32 to vector<16xi32>
      %shift_right_logical3A_381 = arith.shrui %select_n3A_368, %shift_right_logical3A_380 : vector<16xi32>
      %mul3A_382 = arith.constant 256 : i32
      %mul3A_383 = vector.broadcast %mul3A_382 : i32 to vector<16xi32>
      %mul3A_384 = arith.muli %shift_right_logical3A_381, %mul3A_383 : vector<16xi32>
      %and3A_385 = arith.constant 127 : i32
      %and3A_386 = vector.broadcast %and3A_385 : i32 to vector<16xi32>
      %and3A_387 = arith.andi %select_n3A_368, %and3A_386 : vector<16xi32>
      %add3A_388 = arith.addi %mul3A_384, %and3A_387 : vector<16xi32>
      %swap3A_389 = arith.index_cast %add3A_352 : i32 to index
      %swap3A_390 = tpu.vector_load %arg10[%swap3A_389] {strides = array<i32>} : memref<512xi32, #tpu.memory_space<vmem>>, vector<16xi32>,
      tpu.vector_store %arg10[%swap3A_389], %add3A_378 {strides = array<i32>} : memref<512xi32, #tpu.memory_space<vmem>>, vector<16xi32>,
      %add3A_391 = arith.constant 128 : i32
      %add3A_392 = vector.broadcast %add3A_391 : i32 to vector<16xi32>
      %add3A_393 = arith.addi %add3A_378, %add3A_392 : vector<16xi32>
      %swap3A_394 = arith.index_cast %add3A_352 : i32 to index
      %swap3A_395 = tpu.vector_load %arg11[%swap3A_394] {strides = array<i32>} : memref<512xi32, #tpu.memory_space<vmem>>, vector<16xi32>,
      tpu.vector_store %arg11[%swap3A_394], %add3A_393 {strides = array<i32>} : memref<512xi32, #tpu.memory_space<vmem>>, vector<16xi32>,
      %swap3A_396 = arith.index_cast %add3A_352 : i32 to index
      %swap3A_397 = tpu.vector_load %arg12[%swap3A_396] {strides = array<i32>} : memref<512xi32, #tpu.memory_space<vmem>>, vector<16xi32>,
      tpu.vector_store %arg12[%swap3A_396], %add3A_388 {strides = array<i32>} : memref<512xi32, #tpu.memory_space<vmem>>, vector<16xi32>,
      %add3A_398 = arith.constant 128 : i32
      %add3A_399 = vector.broadcast %add3A_398 : i32 to vector<16xi32>
      %add3A_400 = arith.addi %add3A_388, %add3A_399 : vector<16xi32>
      %swap3A_401 = arith.index_cast %add3A_352 : i32 to index
      %swap3A_402 = tpu.vector_load %arg13[%swap3A_401] {strides = array<i32>} : memref<512xi32, #tpu.memory_space<vmem>>, vector<16xi32>,
      tpu.vector_store %arg13[%swap3A_401], %add3A_400 {strides = array<i32>} : memref<512xi32, #tpu.memory_space<vmem>>, vector<16xi32>,
      %scan3A_403 = arith.constant 0 : i32
      %scan3A_404 = arith.constant 3 : i32
      %scan3A_405 = arith.addi %scan3A_240, %scan3A_404 : i32
      %mul3A_406 = arith.constant 16 : i32
      %mul3A_407 = arith.muli %scan3A_405, %mul3A_406 : i32
      %add3A_408 = arith.constant 0 : i32
      %add3A_409 = arith.addi %add3A_408, %mul3A_407 : i32
      %get3A_410 = arith.index_cast %add3A_409 : i32 to index
      %get3A_411 = tpu.vector_load %arg8[%get3A_410] {strides = array<i32>} : memref<512xi32, #tpu.memory_space<vmem>>, vector<16xi32>,
      %get3A_412 = arith.index_cast %add3A_409 : i32 to index
      %get3A_413 = tpu.vector_load %arg9[%get3A_412] {strides = array<i32>} : memref<512xi32, #tpu.memory_space<vmem>>, vector<16xi32>,
      %lt3A_414 = arith.constant 999936 : i32
      %lt3A_415 = vector.broadcast %lt3A_414 : i32 to vector<16xi32>
      %lt3A_416 = arith.cmpi slt, %get3A_411, %lt3A_415 : vector<16xi32>
      %jit3A_417 = arith.constant 0 : i32
      %broadcast_in_dim3A_418 = vector.broadcast %jit3A_417 : i32 to vector<16xi32>
      %select_n3A_419 = arith.select %lt3A_416, %get3A_411, %broadcast_in_dim3A_418 : vector<16xi1>, vector<16xi32>
      %lt3A_420 = arith.constant 999936 : i32
      %lt3A_421 = vector.broadcast %lt3A_420 : i32 to vector<16xi32>
      %lt3A_422 = arith.cmpi slt, %get3A_413, %lt3A_421 : vector<16xi32>
      %jit3A_423 = arith.constant 0 : i32
      %broadcast_in_dim3A_424 = vector.broadcast %jit3A_423 : i32 to vector<16xi32>
      %select_n3A_425 = arith.select %lt3A_422, %get3A_413, %broadcast_in_dim3A_424 : vector<16xi1>, vector<16xi32>
      %shift_right_logical3A_426 = arith.constant 7 : i32
      %shift_right_logical3A_427 = vector.broadcast %shift_right_logical3A_426 : i32 to vector<16xi32>
      %shift_right_logical3A_428 = arith.shrui %select_n3A_419, %shift_right_logical3A_427 : vector<16xi32>
      %mul3A_429 = arith.constant 256 : i32
      %mul3A_430 = vector.broadcast %mul3A_429 : i32 to vector<16xi32>
      %mul3A_431 = arith.muli %shift_right_logical3A_428, %mul3A_430 : vector<16xi32>
      %and3A_432 = arith.constant 127 : i32
      %and3A_433 = vector.broadcast %and3A_432 : i32 to vector<16xi32>
      %and3A_434 = arith.andi %select_n3A_419, %and3A_433 : vector<16xi32>
      %add3A_435 = arith.addi %mul3A_431, %and3A_434 : vector<16xi32>
      %shift_right_logical3A_436 = arith.constant 7 : i32
      %shift_right_logical3A_437 = vector.broadcast %shift_right_logical3A_436 : i32 to vector<16xi32>
      %shift_right_logical3A_438 = arith.shrui %select_n3A_425, %shift_right_logical3A_437 : vector<16xi32>
      %mul3A_439 = arith.constant 256 : i32
      %mul3A_440 = vector.broadcast %mul3A_439 : i32 to vector<16xi32>
      %mul3A_441 = arith.muli %shift_right_logical3A_438, %mul3A_440 : vector<16xi32>
      %and3A_442 = arith.constant 127 : i32
      %and3A_443 = vector.broadcast %and3A_442 : i32 to vector<16xi32>
      %and3A_444 = arith.andi %select_n3A_425, %and3A_443 : vector<16xi32>
      %add3A_445 = arith.addi %mul3A_441, %and3A_444 : vector<16xi32>
      %swap3A_446 = arith.index_cast %add3A_409 : i32 to index
      %swap3A_447 = tpu.vector_load %arg10[%swap3A_446] {strides = array<i32>} : memref<512xi32, #tpu.memory_space<vmem>>, vector<16xi32>,
      tpu.vector_store %arg10[%swap3A_446], %add3A_435 {strides = array<i32>} : memref<512xi32, #tpu.memory_space<vmem>>, vector<16xi32>,
      %add3A_448 = arith.constant 128 : i32
      %add3A_449 = vector.broadcast %add3A_448 : i32 to vector<16xi32>
      %add3A_450 = arith.addi %add3A_435, %add3A_449 : vector<16xi32>
      %swap3A_451 = arith.index_cast %add3A_409 : i32 to index
      %swap3A_452 = tpu.vector_load %arg11[%swap3A_451] {strides = array<i32>} : memref<512xi32, #tpu.memory_space<vmem>>, vector<16xi32>,
      tpu.vector_store %arg11[%swap3A_451], %add3A_450 {strides = array<i32>} : memref<512xi32, #tpu.memory_space<vmem>>, vector<16xi32>,
      %swap3A_453 = arith.index_cast %add3A_409 : i32 to index
      %swap3A_454 = tpu.vector_load %arg12[%swap3A_453] {strides = array<i32>} : memref<512xi32, #tpu.memory_space<vmem>>, vector<16xi32>,
      tpu.vector_store %arg12[%swap3A_453], %add3A_445 {strides = array<i32>} : memref<512xi32, #tpu.memory_space<vmem>>, vector<16xi32>,
      %add3A_455 = arith.constant 128 : i32
      %add3A_456 = vector.broadcast %add3A_455 : i32 to vector<16xi32>
      %add3A_457 = arith.addi %add3A_445, %add3A_456 : vector<16xi32>
      %swap3A_458 = arith.index_cast %add3A_409 : i32 to index
      %swap3A_459 = tpu.vector_load %arg13[%swap3A_458] {strides = array<i32>} : memref<512xi32, #tpu.memory_space<vmem>>, vector<16xi32>,
      tpu.vector_store %arg13[%swap3A_458], %add3A_457 {strides = array<i32>} : memref<512xi32, #tpu.memory_space<vmem>>, vector<16xi32>,
      %scan3A_460 = arith.constant 0 : i32
      scf.yield %scan3A_460 : i32
    }
    %scan3A_14 = arith.constant 8 : i32
    %dma_start3A_15 = arith.constant 0 : i32
    %dma_start3A_16 = tpu.memref_slice %arg14[%dma_start3A_15] : memref<512xf32, #tpu.memory_space<vmem>> -> memref<128xf32, #tpu.memory_space<vmem>>
    %dma_start3A_17 = arith.constant 0 : i32
    %dma_start3A_18 = tpu.memref_slice %arg10[%dma_start3A_17] : memref<512xi32, #tpu.memory_space<vmem>> -> memref<128xi32, #tpu.memory_space<vmem>>
    %dma_start3A_19 = arith.constant 0 : i32
    %dma_start3A_20 = tpu.memref_slice %arg4[%dma_start3A_19] : memref<1999872xf32, #tpu.memory_space<hbm>> -> memref<1999872xf32, #tpu.memory_space<hbm>>
    tpu.enqueue_indirect_dma source(%dma_start3A_20 : memref<1999872xf32, #tpu.memory_space<hbm>>) target(%dma_start3A_16 : memref<128xf32, #tpu.memory_space<vmem>>) offsets(%dma_start3A_18 : memref<128xi32, #tpu.memory_space<vmem>>) semaphore(%arg20 : memref<!tpu.dma_semaphore, #tpu.memory_space<semaphore_mem>>)
    %dma_start3A_21 = arith.constant 0 : i32
    %dma_start3A_22 = tpu.memref_slice %arg15[%dma_start3A_21] : memref<512xf32, #tpu.memory_space<vmem>> -> memref<128xf32, #tpu.memory_space<vmem>>
    %dma_start3A_23 = arith.constant 0 : i32
    %dma_start3A_24 = tpu.memref_slice %arg11[%dma_start3A_23] : memref<512xi32, #tpu.memory_space<vmem>> -> memref<128xi32, #tpu.memory_space<vmem>>
    %dma_start3A_25 = arith.constant 0 : i32
    %dma_start3A_26 = tpu.memref_slice %arg4[%dma_start3A_25] : memref<1999872xf32, #tpu.memory_space<hbm>> -> memref<1999872xf32, #tpu.memory_space<hbm>>
    tpu.enqueue_indirect_dma source(%dma_start3A_26 : memref<1999872xf32, #tpu.memory_space<hbm>>) target(%dma_start3A_22 : memref<128xf32, #tpu.memory_space<vmem>>) offsets(%dma_start3A_24 : memref<128xi32, #tpu.memory_space<vmem>>) semaphore(%arg20 : memref<!tpu.dma_semaphore, #tpu.memory_space<semaphore_mem>>)
    %dma_start3A_27 = arith.constant 0 : i32
    %dma_start3A_28 = tpu.memref_slice %arg16[%dma_start3A_27] : memref<512xf32, #tpu.memory_space<vmem>> -> memref<128xf32, #tpu.memory_space<vmem>>
    %dma_start3A_29 = arith.constant 0 : i32
    %dma_start3A_30 = tpu.memref_slice %arg12[%dma_start3A_29] : memref<512xi32, #tpu.memory_space<vmem>> -> memref<128xi32, #tpu.memory_space<vmem>>
    %dma_start3A_31 = arith.constant 0 : i32
    %dma_start3A_32 = tpu.memref_slice %arg5[%dma_start3A_31] : memref<1999872xf32, #tpu.memory_space<hbm>> -> memref<1999872xf32, #tpu.memory_space<hbm>>
    tpu.enqueue_indirect_dma source(%dma_start3A_32 : memref<1999872xf32, #tpu.memory_space<hbm>>) target(%dma_start3A_28 : memref<128xf32, #tpu.memory_space<vmem>>) offsets(%dma_start3A_30 : memref<128xi32, #tpu.memory_space<vmem>>) semaphore(%arg20 : memref<!tpu.dma_semaphore, #tpu.memory_space<semaphore_mem>>)
    %dma_start3A_33 = arith.constant 0 : i32
    %dma_start3A_34 = tpu.memref_slice %arg17[%dma_start3A_33] : memref<512xf32, #tpu.memory_space<vmem>> -> memref<128xf32, #tpu.memory_space<vmem>>
    %dma_start3A_35 = arith.constant 0 : i32
    %dma_start3A_36 = tpu.memref_slice %arg13[%dma_start3A_35] : memref<512xi32, #tpu.memory_space<vmem>> -> memref<128xi32, #tpu.memory_space<vmem>>
    %dma_start3A_37 = arith.constant 0 : i32
    %dma_start3A_38 = tpu.memref_slice %arg5[%dma_start3A_37] : memref<1999872xf32, #tpu.memory_space<hbm>> -> memref<1999872xf32, #tpu.memory_space<hbm>>
    tpu.enqueue_indirect_dma source(%dma_start3A_38 : memref<1999872xf32, #tpu.memory_space<hbm>>) target(%dma_start3A_34 : memref<128xf32, #tpu.memory_space<vmem>>) offsets(%dma_start3A_36 : memref<128xi32, #tpu.memory_space<vmem>>) semaphore(%arg20 : memref<!tpu.dma_semaphore, #tpu.memory_space<semaphore_mem>>)
    %scan3A_39 = arith.constant 0 : i32
    %scan3A_40 = arith.constant 0 : i32
    %scan3A_41 = arith.constant 8 : i32
    %scan3A_42 = arith.addi %scan3A_40, %scan3A_41 : i32
    %scan3A_43 = arith.constant 4 : i32
    %scan3A_44 = scf.for %scan3A_240 = %scan3A_40 to %scan3A_42 step %scan3A_43 iter_args(%scan3A_241 = %scan3A_39) -> (i32)  : i32 {
      %mul3A_242 = arith.constant 16 : i32
      %mul3A_243 = arith.muli %scan3A_240, %mul3A_242 : i32
      %add3A_244 = arith.constant 128 : i32
      %add3A_245 = arith.addi %add3A_244, %mul3A_243 : i32
      %get3A_246 = arith.index_cast %add3A_245 : i32 to index
      %get3A_247 = tpu.vector_load %arg8[%get3A_246] {strides = array<i32>} : memref<512xi32, #tpu.memory_space<vmem>>, vector<16xi32>,
      %get3A_248 = arith.index_cast %add3A_245 : i32 to index
      %get3A_249 = tpu.vector_load %arg9[%get3A_248] {strides = array<i32>} : memref<512xi32, #tpu.memory_space<vmem>>, vector<16xi32>,
      %lt3A = arith.constant 999936 : i32
      %lt3A_250 = vector.broadcast %lt3A : i32 to vector<16xi32>
      %lt3A_251 = arith.cmpi slt, %get3A_247, %lt3A_250 : vector<16xi32>
      %jit3A = arith.constant 0 : i32
      %broadcast_in_dim3A = vector.broadcast %jit3A : i32 to vector<16xi32>
      %select_n3A = arith.select %lt3A_251, %get3A_247, %broadcast_in_dim3A : vector<16xi1>, vector<16xi32>
      %lt3A_252 = arith.constant 999936 : i32
      %lt3A_253 = vector.broadcast %lt3A_252 : i32 to vector<16xi32>
      %lt3A_254 = arith.cmpi slt, %get3A_249, %lt3A_253 : vector<16xi32>
      %jit3A_255 = arith.constant 0 : i32
      %broadcast_in_dim3A_256 = vector.broadcast %jit3A_255 : i32 to vector<16xi32>
      %select_n3A_257 = arith.select %lt3A_254, %get3A_249, %broadcast_in_dim3A_256 : vector<16xi1>, vector<16xi32>
      %shift_right_logical3A = arith.constant 7 : i32
      %shift_right_logical3A_258 = vector.broadcast %shift_right_logical3A : i32 to vector<16xi32>
      %shift_right_logical3A_259 = arith.shrui %select_n3A, %shift_right_logical3A_258 : vector<16xi32>
      %mul3A_260 = arith.constant 256 : i32
      %mul3A_261 = vector.broadcast %mul3A_260 : i32 to vector<16xi32>
      %mul3A_262 = arith.muli %shift_right_logical3A_259, %mul3A_261 : vector<16xi32>
      %and3A = arith.constant 127 : i32
      %and3A_263 = vector.broadcast %and3A : i32 to vector<16xi32>
      %and3A_264 = arith.andi %select_n3A, %and3A_263 : vector<16xi32>
      %add3A_265 = arith.addi %mul3A_262, %and3A_264 : vector<16xi32>
      %shift_right_logical3A_266 = arith.constant 7 : i32
      %shift_right_logical3A_267 = vector.broadcast %shift_right_logical3A_266 : i32 to vector<16xi32>
      %shift_right_logical3A_268 = arith.shrui %select_n3A_257, %shift_right_logical3A_267 : vector<16xi32>
      %mul3A_269 = arith.constant 256 : i32
      %mul3A_270 = vector.broadcast %mul3A_269 : i32 to vector<16xi32>
      %mul3A_271 = arith.muli %shift_right_logical3A_268, %mul3A_270 : vector<16xi32>
      %and3A_272 = arith.constant 127 : i32
      %and3A_273 = vector.broadcast %and3A_272 : i32 to vector<16xi32>
      %and3A_274 = arith.andi %select_n3A_257, %and3A_273 : vector<16xi32>
      %add3A_275 = arith.addi %mul3A_271, %and3A_274 : vector<16xi32>
      %swap3A = arith.index_cast %add3A_245 : i32 to index
      %swap3A_276 = tpu.vector_load %arg10[%swap3A] {strides = array<i32>} : memref<512xi32, #tpu.memory_space<vmem>>, vector<16xi32>,
      tpu.vector_store %arg10[%swap3A], %add3A_265 {strides = array<i32>} : memref<512xi32, #tpu.memory_space<vmem>>, vector<16xi32>,
      %add3A_277 = arith.constant 128 : i32
      %add3A_278 = vector.broadcast %add3A_277 : i32 to vector<16xi32>
      %add3A_279 = arith.addi %add3A_265, %add3A_278 : vector<16xi32>
      %swap3A_280 = arith.index_cast %add3A_245 : i32 to index
      %swap3A_281 = tpu.vector_load %arg11[%swap3A_280] {strides = array<i32>} : memref<512xi32, #tpu.memory_space<vmem>>, vector<16xi32>,
      tpu.vector_store %arg11[%swap3A_280], %add3A_279 {strides = array<i32>} : memref<512xi32, #tpu.memory_space<vmem>>, vector<16xi32>,
      %swap3A_282 = arith.index_cast %add3A_245 : i32 to index
      %swap3A_283 = tpu.vector_load %arg12[%swap3A_282] {strides = array<i32>} : memref<512xi32, #tpu.memory_space<vmem>>, vector<16xi32>,
      tpu.vector_store %arg12[%swap3A_282], %add3A_275 {strides = array<i32>} : memref<512xi32, #tpu.memory_space<vmem>>, vector<16xi32>,
      %add3A_284 = arith.constant 128 : i32
      %add3A_285 = vector.broadcast %add3A_284 : i32 to vector<16xi32>
      %add3A_286 = arith.addi %add3A_275, %add3A_285 : vector<16xi32>
      %swap3A_287 = arith.index_cast %add3A_245 : i32 to index
      %swap3A_288 = tpu.vector_load %arg13[%swap3A_287] {strides = array<i32>} : memref<512xi32, #tpu.memory_space<vmem>>, vector<16xi32>,
      tpu.vector_store %arg13[%swap3A_287], %add3A_286 {strides = array<i32>} : memref<512xi32, #tpu.memory_space<vmem>>, vector<16xi32>,
      %scan3A_289 = arith.constant 0 : i32
      %scan3A_290 = arith.constant 1 : i32
      %scan3A_291 = arith.addi %scan3A_240, %scan3A_290 : i32
      %mul3A_292 = arith.constant 16 : i32
      %mul3A_293 = arith.muli %scan3A_291, %mul3A_292 : i32
      %add3A_294 = arith.constant 128 : i32
      %add3A_295 = arith.addi %add3A_294, %mul3A_293 : i32
      %get3A_296 = arith.index_cast %add3A_295 : i32 to index
      %get3A_297 = tpu.vector_load %arg8[%get3A_296] {strides = array<i32>} : memref<512xi32, #tpu.memory_space<vmem>>, vector<16xi32>,
      %get3A_298 = arith.index_cast %add3A_295 : i32 to index
      %get3A_299 = tpu.vector_load %arg9[%get3A_298] {strides = array<i32>} : memref<512xi32, #tpu.memory_space<vmem>>, vector<16xi32>,
      %lt3A_300 = arith.constant 999936 : i32
      %lt3A_301 = vector.broadcast %lt3A_300 : i32 to vector<16xi32>
      %lt3A_302 = arith.cmpi slt, %get3A_297, %lt3A_301 : vector<16xi32>
      %jit3A_303 = arith.constant 0 : i32
      %broadcast_in_dim3A_304 = vector.broadcast %jit3A_303 : i32 to vector<16xi32>
      %select_n3A_305 = arith.select %lt3A_302, %get3A_297, %broadcast_in_dim3A_304 : vector<16xi1>, vector<16xi32>
      %lt3A_306 = arith.constant 999936 : i32
      %lt3A_307 = vector.broadcast %lt3A_306 : i32 to vector<16xi32>
      %lt3A_308 = arith.cmpi slt, %get3A_299, %lt3A_307 : vector<16xi32>
      %jit3A_309 = arith.constant 0 : i32
      %broadcast_in_dim3A_310 = vector.broadcast %jit3A_309 : i32 to vector<16xi32>
      %select_n3A_311 = arith.select %lt3A_308, %get3A_299, %broadcast_in_dim3A_310 : vector<16xi1>, vector<16xi32>
      %shift_right_logical3A_312 = arith.constant 7 : i32
      %shift_right_logical3A_313 = vector.broadcast %shift_right_logical3A_312 : i32 to vector<16xi32>
      %shift_right_logical3A_314 = arith.shrui %select_n3A_305, %shift_right_logical3A_313 : vector<16xi32>
      %mul3A_315 = arith.constant 256 : i32
      %mul3A_316 = vector.broadcast %mul3A_315 : i32 to vector<16xi32>
      %mul3A_317 = arith.muli %shift_right_logical3A_314, %mul3A_316 : vector<16xi32>
      %and3A_318 = arith.constant 127 : i32
      %and3A_319 = vector.broadcast %and3A_318 : i32 to vector<16xi32>
      %and3A_320 = arith.andi %select_n3A_305, %and3A_319 : vector<16xi32>
      %add3A_321 = arith.addi %mul3A_317, %and3A_320 : vector<16xi32>
      %shift_right_logical3A_322 = arith.constant 7 : i32
      %shift_right_logical3A_323 = vector.broadcast %shift_right_logical3A_322 : i32 to vector<16xi32>
      %shift_right_logical3A_324 = arith.shrui %select_n3A_311, %shift_right_logical3A_323 : vector<16xi32>
      %mul3A_325 = arith.constant 256 : i32
      %mul3A_326 = vector.broadcast %mul3A_325 : i32 to vector<16xi32>
      %mul3A_327 = arith.muli %shift_right_logical3A_324, %mul3A_326 : vector<16xi32>
      %and3A_328 = arith.constant 127 : i32
      %and3A_329 = vector.broadcast %and3A_328 : i32 to vector<16xi32>
      %and3A_330 = arith.andi %select_n3A_311, %and3A_329 : vector<16xi32>
      %add3A_331 = arith.addi %mul3A_327, %and3A_330 : vector<16xi32>
      %swap3A_332 = arith.index_cast %add3A_295 : i32 to index
      %swap3A_333 = tpu.vector_load %arg10[%swap3A_332] {strides = array<i32>} : memref<512xi32, #tpu.memory_space<vmem>>, vector<16xi32>,
      tpu.vector_store %arg10[%swap3A_332], %add3A_321 {strides = array<i32>} : memref<512xi32, #tpu.memory_space<vmem>>, vector<16xi32>,
      %add3A_334 = arith.constant 128 : i32
      %add3A_335 = vector.broadcast %add3A_334 : i32 to vector<16xi32>
      %add3A_336 = arith.addi %add3A_321, %add3A_335 : vector<16xi32>
      %swap3A_337 = arith.index_cast %add3A_295 : i32 to index
      %swap3A_338 = tpu.vector_load %arg11[%swap3A_337] {strides = array<i32>} : memref<512xi32, #tpu.memory_space<vmem>>, vector<16xi32>,
      tpu.vector_store %arg11[%swap3A_337], %add3A_336 {strides = array<i32>} : memref<512xi32, #tpu.memory_space<vmem>>, vector<16xi32>,
      %swap3A_339 = arith.index_cast %add3A_295 : i32 to index
      %swap3A_340 = tpu.vector_load %arg12[%swap3A_339] {strides = array<i32>} : memref<512xi32, #tpu.memory_space<vmem>>, vector<16xi32>,
      tpu.vector_store %arg12[%swap3A_339], %add3A_331 {strides = array<i32>} : memref<512xi32, #tpu.memory_space<vmem>>, vector<16xi32>,
      %add3A_341 = arith.constant 128 : i32
      %add3A_342 = vector.broadcast %add3A_341 : i32 to vector<16xi32>
      %add3A_343 = arith.addi %add3A_331, %add3A_342 : vector<16xi32>
      %swap3A_344 = arith.index_cast %add3A_295 : i32 to index
      %swap3A_345 = tpu.vector_load %arg13[%swap3A_344] {strides = array<i32>} : memref<512xi32, #tpu.memory_space<vmem>>, vector<16xi32>,
      tpu.vector_store %arg13[%swap3A_344], %add3A_343 {strides = array<i32>} : memref<512xi32, #tpu.memory_space<vmem>>, vector<16xi32>,
      %scan3A_346 = arith.constant 0 : i32
      %scan3A_347 = arith.constant 2 : i32
      %scan3A_348 = arith.addi %scan3A_240, %scan3A_347 : i32
      %mul3A_349 = arith.constant 16 : i32
      %mul3A_350 = arith.muli %scan3A_348, %mul3A_349 : i32
      %add3A_351 = arith.constant 128 : i32
      %add3A_352 = arith.addi %add3A_351, %mul3A_350 : i32
      %get3A_353 = arith.index_cast %add3A_352 : i32 to index
      %get3A_354 = tpu.vector_load %arg8[%get3A_353] {strides = array<i32>} : memref<512xi32, #tpu.memory_space<vmem>>, vector<16xi32>,
      %get3A_355 = arith.index_cast %add3A_352 : i32 to index
      %get3A_356 = tpu.vector_load %arg9[%get3A_355] {strides = array<i32>} : memref<512xi32, #tpu.memory_space<vmem>>, vector<16xi32>,
      %lt3A_357 = arith.constant 999936 : i32
      %lt3A_358 = vector.broadcast %lt3A_357 : i32 to vector<16xi32>
      %lt3A_359 = arith.cmpi slt, %get3A_354, %lt3A_358 : vector<16xi32>
      %jit3A_360 = arith.constant 0 : i32
      %broadcast_in_dim3A_361 = vector.broadcast %jit3A_360 : i32 to vector<16xi32>
      %select_n3A_362 = arith.select %lt3A_359, %get3A_354, %broadcast_in_dim3A_361 : vector<16xi1>, vector<16xi32>
      %lt3A_363 = arith.constant 999936 : i32
      %lt3A_364 = vector.broadcast %lt3A_363 : i32 to vector<16xi32>
      %lt3A_365 = arith.cmpi slt, %get3A_356, %lt3A_364 : vector<16xi32>
      %jit3A_366 = arith.constant 0 : i32
      %broadcast_in_dim3A_367 = vector.broadcast %jit3A_366 : i32 to vector<16xi32>
      %select_n3A_368 = arith.select %lt3A_365, %get3A_356, %broadcast_in_dim3A_367 : vector<16xi1>, vector<16xi32>
      %shift_right_logical3A_369 = arith.constant 7 : i32
      %shift_right_logical3A_370 = vector.broadcast %shift_right_logical3A_369 : i32 to vector<16xi32>
      %shift_right_logical3A_371 = arith.shrui %select_n3A_362, %shift_right_logical3A_370 : vector<16xi32>
      %mul3A_372 = arith.constant 256 : i32
      %mul3A_373 = vector.broadcast %mul3A_372 : i32 to vector<16xi32>
      %mul3A_374 = arith.muli %shift_right_logical3A_371, %mul3A_373 : vector<16xi32>
      %and3A_375 = arith.constant 127 : i32
      %and3A_376 = vector.broadcast %and3A_375 : i32 to vector<16xi32>
      %and3A_377 = arith.andi %select_n3A_362, %and3A_376 : vector<16xi32>
      %add3A_378 = arith.addi %mul3A_374, %and3A_377 : vector<16xi32>
      %shift_right_logical3A_379 = arith.constant 7 : i32
      %shift_right_logical3A_380 = vector.broadcast %shift_right_logical3A_379 : i32 to vector<16xi32>
      %shift_right_logical3A_381 = arith.shrui %select_n3A_368, %shift_right_logical3A_380 : vector<16xi32>
      %mul3A_382 = arith.constant 256 : i32
      %mul3A_383 = vector.broadcast %mul3A_382 : i32 to vector<16xi32>
      %mul3A_384 = arith.muli %shift_right_logical3A_381, %mul3A_383 : vector<16xi32>
      %and3A_385 = arith.constant 127 : i32
      %and3A_386 = vector.broadcast %and3A_385 : i32 to vector<16xi32>
      %and3A_387 = arith.andi %select_n3A_368, %and3A_386 : vector<16xi32>
      %add3A_388 = arith.addi %mul3A_384, %and3A_387 : vector<16xi32>
      %swap3A_389 = arith.index_cast %add3A_352 : i32 to index
      %swap3A_390 = tpu.vector_load %arg10[%swap3A_389] {strides = array<i32>} : memref<512xi32, #tpu.memory_space<vmem>>, vector<16xi32>,
      tpu.vector_store %arg10[%swap3A_389], %add3A_378 {strides = array<i32>} : memref<512xi32, #tpu.memory_space<vmem>>, vector<16xi32>,
      %add3A_391 = arith.constant 128 : i32
      %add3A_392 = vector.broadcast %add3A_391 : i32 to vector<16xi32>
      %add3A_393 = arith.addi %add3A_378, %add3A_392 : vector<16xi32>
      %swap3A_394 = arith.index_cast %add3A_352 : i32 to index
      %swap3A_395 = tpu.vector_load %arg11[%swap3A_394] {strides = array<i32>} : memref<512xi32, #tpu.memory_space<vmem>>, vector<16xi32>,
      tpu.vector_store %arg11[%swap3A_394], %add3A_393 {strides = array<i32>} : memref<512xi32, #tpu.memory_space<vmem>>, vector<16xi32>,
      %swap3A_396 = arith.index_cast %add3A_352 : i32 to index
      %swap3A_397 = tpu.vector_load %arg12[%swap3A_396] {strides = array<i32>} : memref<512xi32, #tpu.memory_space<vmem>>, vector<16xi32>,
      tpu.vector_store %arg12[%swap3A_396], %add3A_388 {strides = array<i32>} : memref<512xi32, #tpu.memory_space<vmem>>, vector<16xi32>,
      %add3A_398 = arith.constant 128 : i32
      %add3A_399 = vector.broadcast %add3A_398 : i32 to vector<16xi32>
      %add3A_400 = arith.addi %add3A_388, %add3A_399 : vector<16xi32>
      %swap3A_401 = arith.index_cast %add3A_352 : i32 to index
      %swap3A_402 = tpu.vector_load %arg13[%swap3A_401] {strides = array<i32>} : memref<512xi32, #tpu.memory_space<vmem>>, vector<16xi32>,
      tpu.vector_store %arg13[%swap3A_401], %add3A_400 {strides = array<i32>} : memref<512xi32, #tpu.memory_space<vmem>>, vector<16xi32>,
      %scan3A_403 = arith.constant 0 : i32
      %scan3A_404 = arith.constant 3 : i32
      %scan3A_405 = arith.addi %scan3A_240, %scan3A_404 : i32
      %mul3A_406 = arith.constant 16 : i32
      %mul3A_407 = arith.muli %scan3A_405, %mul3A_406 : i32
      %add3A_408 = arith.constant 128 : i32
      %add3A_409 = arith.addi %add3A_408, %mul3A_407 : i32
      %get3A_410 = arith.index_cast %add3A_409 : i32 to index
      %get3A_411 = tpu.vector_load %arg8[%get3A_410] {strides = array<i32>} : memref<512xi32, #tpu.memory_space<vmem>>, vector<16xi32>,
      %get3A_412 = arith.index_cast %add3A_409 : i32 to index
      %get3A_413 = tpu.vector_load %arg9[%get3A_412] {strides = array<i32>} : memref<512xi32, #tpu.memory_space<vmem>>, vector<16xi32>,
      %lt3A_414 = arith.constant 999936 : i32
      %lt3A_415 = vector.broadcast %lt3A_414 : i32 to vector<16xi32>
      %lt3A_416 = arith.cmpi slt, %get3A_411, %lt3A_415 : vector<16xi32>
      %jit3A_417 = arith.constant 0 : i32
      %broadcast_in_dim3A_418 = vector.broadcast %jit3A_417 : i32 to vector<16xi32>
      %select_n3A_419 = arith.select %lt3A_416, %get3A_411, %broadcast_in_dim3A_418 : vector<16xi1>, vector<16xi32>
      %lt3A_420 = arith.constant 999936 : i32
      %lt3A_421 = vector.broadcast %lt3A_420 : i32 to vector<16xi32>
      %lt3A_422 = arith.cmpi slt, %get3A_413, %lt3A_421 : vector<16xi32>
      %jit3A_423 = arith.constant 0 : i32
      %broadcast_in_dim3A_424 = vector.broadcast %jit3A_423 : i32 to vector<16xi32>
      %select_n3A_425 = arith.select %lt3A_422, %get3A_413, %broadcast_in_dim3A_424 : vector<16xi1>, vector<16xi32>
      %shift_right_logical3A_426 = arith.constant 7 : i32
      %shift_right_logical3A_427 = vector.broadcast %shift_right_logical3A_426 : i32 to vector<16xi32>
      %shift_right_logical3A_428 = arith.shrui %select_n3A_419, %shift_right_logical3A_427 : vector<16xi32>
      %mul3A_429 = arith.constant 256 : i32
      %mul3A_430 = vector.broadcast %mul3A_429 : i32 to vector<16xi32>
      %mul3A_431 = arith.muli %shift_right_logical3A_428, %mul3A_430 : vector<16xi32>
      %and3A_432 = arith.constant 127 : i32
      %and3A_433 = vector.broadcast %and3A_432 : i32 to vector<16xi32>
      %and3A_434 = arith.andi %select_n3A_419, %and3A_433 : vector<16xi32>
      %add3A_435 = arith.addi %mul3A_431, %and3A_434 : vector<16xi32>
      %shift_right_logical3A_436 = arith.constant 7 : i32
      %shift_right_logical3A_437 = vector.broadcast %shift_right_logical3A_436 : i32 to vector<16xi32>
      %shift_right_logical3A_438 = arith.shrui %select_n3A_425, %shift_right_logical3A_437 : vector<16xi32>
      %mul3A_439 = arith.constant 256 : i32
      %mul3A_440 = vector.broadcast %mul3A_439 : i32 to vector<16xi32>
      %mul3A_441 = arith.muli %shift_right_logical3A_438, %mul3A_440 : vector<16xi32>
      %and3A_442 = arith.constant 127 : i32
      %and3A_443 = vector.broadcast %and3A_442 : i32 to vector<16xi32>
      %and3A_444 = arith.andi %select_n3A_425, %and3A_443 : vector<16xi32>
      %add3A_445 = arith.addi %mul3A_441, %and3A_444 : vector<16xi32>
      %swap3A_446 = arith.index_cast %add3A_409 : i32 to index
      %swap3A_447 = tpu.vector_load %arg10[%swap3A_446] {strides = array<i32>} : memref<512xi32, #tpu.memory_space<vmem>>, vector<16xi32>,
      tpu.vector_store %arg10[%swap3A_446], %add3A_435 {strides = array<i32>} : memref<512xi32, #tpu.memory_space<vmem>>, vector<16xi32>,
      %add3A_448 = arith.constant 128 : i32
      %add3A_449 = vector.broadcast %add3A_448 : i32 to vector<16xi32>
      %add3A_450 = arith.addi %add3A_435, %add3A_449 : vector<16xi32>
      %swap3A_451 = arith.index_cast %add3A_409 : i32 to index
      %swap3A_452 = tpu.vector_load %arg11[%swap3A_451] {strides = array<i32>} : memref<512xi32, #tpu.memory_space<vmem>>, vector<16xi32>,
      tpu.vector_store %arg11[%swap3A_451], %add3A_450 {strides = array<i32>} : memref<512xi32, #tpu.memory_space<vmem>>, vector<16xi32>,
      %swap3A_453 = arith.index_cast %add3A_409 : i32 to index
      %swap3A_454 = tpu.vector_load %arg12[%swap3A_453] {strides = array<i32>} : memref<512xi32, #tpu.memory_space<vmem>>, vector<16xi32>,
      tpu.vector_store %arg12[%swap3A_453], %add3A_445 {strides = array<i32>} : memref<512xi32, #tpu.memory_space<vmem>>, vector<16xi32>,
      %add3A_455 = arith.constant 128 : i32
      %add3A_456 = vector.broadcast %add3A_455 : i32 to vector<16xi32>
      %add3A_457 = arith.addi %add3A_445, %add3A_456 : vector<16xi32>
      %swap3A_458 = arith.index_cast %add3A_409 : i32 to index
      %swap3A_459 = tpu.vector_load %arg13[%swap3A_458] {strides = array<i32>} : memref<512xi32, #tpu.memory_space<vmem>>, vector<16xi32>,
      tpu.vector_store %arg13[%swap3A_458], %add3A_457 {strides = array<i32>} : memref<512xi32, #tpu.memory_space<vmem>>, vector<16xi32>,
      %scan3A_460 = arith.constant 0 : i32
      scf.yield %scan3A_460 : i32
    }
    %scan3A_45 = arith.constant 8 : i32
    %dma_start3A_46 = arith.constant 128 : i32
    %dma_start3A_47 = tpu.memref_slice %arg14[%dma_start3A_46] : memref<512xf32, #tpu.memory_space<vmem>> -> memref<128xf32, #tpu.memory_space<vmem>>
    %dma_start3A_48 = arith.constant 128 : i32
    %dma_start3A_49 = tpu.memref_slice %arg10[%dma_start3A_48] : memref<512xi32, #tpu.memory_space<vmem>> -> memref<128xi32, #tpu.memory_space<vmem>>
    %dma_start3A_50 = arith.constant 0 : i32
    %dma_start3A_51 = tpu.memref_slice %arg4[%dma_start3A_50] : memref<1999872xf32, #tpu.memory_space<hbm>> -> memref<1999872xf32, #tpu.memory_space<hbm>>
    tpu.enqueue_indirect_dma source(%dma_start3A_51 : memref<1999872xf32, #tpu.memory_space<hbm>>) target(%dma_start3A_47 : memref<128xf32, #tpu.memory_space<vmem>>) offsets(%dma_start3A_49 : memref<128xi32, #tpu.memory_space<vmem>>) semaphore(%arg20 : memref<!tpu.dma_semaphore, #tpu.memory_space<semaphore_mem>>)
    %dma_start3A_52 = arith.constant 128 : i32
    %dma_start3A_53 = tpu.memref_slice %arg15[%dma_start3A_52] : memref<512xf32, #tpu.memory_space<vmem>> -> memref<128xf32, #tpu.memory_space<vmem>>
    %dma_start3A_54 = arith.constant 128 : i32
    %dma_start3A_55 = tpu.memref_slice %arg11[%dma_start3A_54] : memref<512xi32, #tpu.memory_space<vmem>> -> memref<128xi32, #tpu.memory_space<vmem>>
    %dma_start3A_56 = arith.constant 0 : i32
    %dma_start3A_57 = tpu.memref_slice %arg4[%dma_start3A_56] : memref<1999872xf32, #tpu.memory_space<hbm>> -> memref<1999872xf32, #tpu.memory_space<hbm>>
    tpu.enqueue_indirect_dma source(%dma_start3A_57 : memref<1999872xf32, #tpu.memory_space<hbm>>) target(%dma_start3A_53 : memref<128xf32, #tpu.memory_space<vmem>>) offsets(%dma_start3A_55 : memref<128xi32, #tpu.memory_space<vmem>>) semaphore(%arg20 : memref<!tpu.dma_semaphore, #tpu.memory_space<semaphore_mem>>)
    %dma_start3A_58 = arith.constant 128 : i32
    %dma_start3A_59 = tpu.memref_slice %arg16[%dma_start3A_58] : memref<512xf32, #tpu.memory_space<vmem>> -> memref<128xf32, #tpu.memory_space<vmem>>
    %dma_start3A_60 = arith.constant 128 : i32
    %dma_start3A_61 = tpu.memref_slice %arg12[%dma_start3A_60] : memref<512xi32, #tpu.memory_space<vmem>> -> memref<128xi32, #tpu.memory_space<vmem>>
    %dma_start3A_62 = arith.constant 0 : i32
    %dma_start3A_63 = tpu.memref_slice %arg5[%dma_start3A_62] : memref<1999872xf32, #tpu.memory_space<hbm>> -> memref<1999872xf32, #tpu.memory_space<hbm>>
    tpu.enqueue_indirect_dma source(%dma_start3A_63 : memref<1999872xf32, #tpu.memory_space<hbm>>) target(%dma_start3A_59 : memref<128xf32, #tpu.memory_space<vmem>>) offsets(%dma_start3A_61 : memref<128xi32, #tpu.memory_space<vmem>>) semaphore(%arg20 : memref<!tpu.dma_semaphore, #tpu.memory_space<semaphore_mem>>)
    %dma_start3A_64 = arith.constant 128 : i32
    %dma_start3A_65 = tpu.memref_slice %arg17[%dma_start3A_64] : memref<512xf32, #tpu.memory_space<vmem>> -> memref<128xf32, #tpu.memory_space<vmem>>
    %dma_start3A_66 = arith.constant 128 : i32
    %dma_start3A_67 = tpu.memref_slice %arg13[%dma_start3A_66] : memref<512xi32, #tpu.memory_space<vmem>> -> memref<128xi32, #tpu.memory_space<vmem>>
    %dma_start3A_68 = arith.constant 0 : i32
    %dma_start3A_69 = tpu.memref_slice %arg5[%dma_start3A_68] : memref<1999872xf32, #tpu.memory_space<hbm>> -> memref<1999872xf32, #tpu.memory_space<hbm>>
    tpu.enqueue_indirect_dma source(%dma_start3A_69 : memref<1999872xf32, #tpu.memory_space<hbm>>) target(%dma_start3A_65 : memref<128xf32, #tpu.memory_space<vmem>>) offsets(%dma_start3A_67 : memref<128xi32, #tpu.memory_space<vmem>>) semaphore(%arg20 : memref<!tpu.dma_semaphore, #tpu.memory_space<semaphore_mem>>)
    %scan3A_70 = arith.constant 0 : i32
    %scan3A_71 = arith.constant 0 : i32
    %scan3A_72 = arith.constant 8 : i32
    %scan3A_73 = arith.addi %scan3A_71, %scan3A_72 : i32
    %scan3A_74 = arith.constant 4 : i32
    %scan3A_75 = scf.for %scan3A_240 = %scan3A_71 to %scan3A_73 step %scan3A_74 iter_args(%scan3A_241 = %scan3A_70) -> (i32)  : i32 {
      %mul3A_242 = arith.constant 16 : i32
      %mul3A_243 = arith.muli %scan3A_240, %mul3A_242 : i32
      %add3A_244 = arith.constant 256 : i32
      %add3A_245 = arith.addi %add3A_244, %mul3A_243 : i32
      %get3A_246 = arith.index_cast %add3A_245 : i32 to index
      %get3A_247 = tpu.vector_load %arg8[%get3A_246] {strides = array<i32>} : memref<512xi32, #tpu.memory_space<vmem>>, vector<16xi32>,
      %get3A_248 = arith.index_cast %add3A_245 : i32 to index
      %get3A_249 = tpu.vector_load %arg9[%get3A_248] {strides = array<i32>} : memref<512xi32, #tpu.memory_space<vmem>>, vector<16xi32>,
      %lt3A = arith.constant 999936 : i32
      %lt3A_250 = vector.broadcast %lt3A : i32 to vector<16xi32>
      %lt3A_251 = arith.cmpi slt, %get3A_247, %lt3A_250 : vector<16xi32>
      %jit3A = arith.constant 0 : i32
      %broadcast_in_dim3A = vector.broadcast %jit3A : i32 to vector<16xi32>
      %select_n3A = arith.select %lt3A_251, %get3A_247, %broadcast_in_dim3A : vector<16xi1>, vector<16xi32>
      %lt3A_252 = arith.constant 999936 : i32
      %lt3A_253 = vector.broadcast %lt3A_252 : i32 to vector<16xi32>
      %lt3A_254 = arith.cmpi slt, %get3A_249, %lt3A_253 : vector<16xi32>
      %jit3A_255 = arith.constant 0 : i32
      %broadcast_in_dim3A_256 = vector.broadcast %jit3A_255 : i32 to vector<16xi32>
      %select_n3A_257 = arith.select %lt3A_254, %get3A_249, %broadcast_in_dim3A_256 : vector<16xi1>, vector<16xi32>
      %shift_right_logical3A = arith.constant 7 : i32
      %shift_right_logical3A_258 = vector.broadcast %shift_right_logical3A : i32 to vector<16xi32>
      %shift_right_logical3A_259 = arith.shrui %select_n3A, %shift_right_logical3A_258 : vector<16xi32>
      %mul3A_260 = arith.constant 256 : i32
      %mul3A_261 = vector.broadcast %mul3A_260 : i32 to vector<16xi32>
      %mul3A_262 = arith.muli %shift_right_logical3A_259, %mul3A_261 : vector<16xi32>
      %and3A = arith.constant 127 : i32
      %and3A_263 = vector.broadcast %and3A : i32 to vector<16xi32>
      %and3A_264 = arith.andi %select_n3A, %and3A_263 : vector<16xi32>
      %add3A_265 = arith.addi %mul3A_262, %and3A_264 : vector<16xi32>
      %shift_right_logical3A_266 = arith.constant 7 : i32
      %shift_right_logical3A_267 = vector.broadcast %shift_right_logical3A_266 : i32 to vector<16xi32>
      %shift_right_logical3A_268 = arith.shrui %select_n3A_257, %shift_right_logical3A_267 : vector<16xi32>
      %mul3A_269 = arith.constant 256 : i32
      %mul3A_270 = vector.broadcast %mul3A_269 : i32 to vector<16xi32>
      %mul3A_271 = arith.muli %shift_right_logical3A_268, %mul3A_270 : vector<16xi32>
      %and3A_272 = arith.constant 127 : i32
      %and3A_273 = vector.broadcast %and3A_272 : i32 to vector<16xi32>
      %and3A_274 = arith.andi %select_n3A_257, %and3A_273 : vector<16xi32>
      %add3A_275 = arith.addi %mul3A_271, %and3A_274 : vector<16xi32>
      %swap3A = arith.index_cast %add3A_245 : i32 to index
      %swap3A_276 = tpu.vector_load %arg10[%swap3A] {strides = array<i32>} : memref<512xi32, #tpu.memory_space<vmem>>, vector<16xi32>,
      tpu.vector_store %arg10[%swap3A], %add3A_265 {strides = array<i32>} : memref<512xi32, #tpu.memory_space<vmem>>, vector<16xi32>,
      %add3A_277 = arith.constant 128 : i32
      %add3A_278 = vector.broadcast %add3A_277 : i32 to vector<16xi32>
      %add3A_279 = arith.addi %add3A_265, %add3A_278 : vector<16xi32>
      %swap3A_280 = arith.index_cast %add3A_245 : i32 to index
      %swap3A_281 = tpu.vector_load %arg11[%swap3A_280] {strides = array<i32>} : memref<512xi32, #tpu.memory_space<vmem>>, vector<16xi32>,
      tpu.vector_store %arg11[%swap3A_280], %add3A_279 {strides = array<i32>} : memref<512xi32, #tpu.memory_space<vmem>>, vector<16xi32>,
      %swap3A_282 = arith.index_cast %add3A_245 : i32 to index
      %swap3A_283 = tpu.vector_load %arg12[%swap3A_282] {strides = array<i32>} : memref<512xi32, #tpu.memory_space<vmem>>, vector<16xi32>,
      tpu.vector_store %arg12[%swap3A_282], %add3A_275 {strides = array<i32>} : memref<512xi32, #tpu.memory_space<vmem>>, vector<16xi32>,
      %add3A_284 = arith.constant 128 : i32
      %add3A_285 = vector.broadcast %add3A_284 : i32 to vector<16xi32>
      %add3A_286 = arith.addi %add3A_275, %add3A_285 : vector<16xi32>
      %swap3A_287 = arith.index_cast %add3A_245 : i32 to index
      %swap3A_288 = tpu.vector_load %arg13[%swap3A_287] {strides = array<i32>} : memref<512xi32, #tpu.memory_space<vmem>>, vector<16xi32>,
      tpu.vector_store %arg13[%swap3A_287], %add3A_286 {strides = array<i32>} : memref<512xi32, #tpu.memory_space<vmem>>, vector<16xi32>,
      %scan3A_289 = arith.constant 0 : i32
      %scan3A_290 = arith.constant 1 : i32
      %scan3A_291 = arith.addi %scan3A_240, %scan3A_290 : i32
      %mul3A_292 = arith.constant 16 : i32
      %mul3A_293 = arith.muli %scan3A_291, %mul3A_292 : i32
      %add3A_294 = arith.constant 256 : i32
      %add3A_295 = arith.addi %add3A_294, %mul3A_293 : i32
      %get3A_296 = arith.index_cast %add3A_295 : i32 to index
      %get3A_297 = tpu.vector_load %arg8[%get3A_296] {strides = array<i32>} : memref<512xi32, #tpu.memory_space<vmem>>, vector<16xi32>,
      %get3A_298 = arith.index_cast %add3A_295 : i32 to index
      %get3A_299 = tpu.vector_load %arg9[%get3A_298] {strides = array<i32>} : memref<512xi32, #tpu.memory_space<vmem>>, vector<16xi32>,
      %lt3A_300 = arith.constant 999936 : i32
      %lt3A_301 = vector.broadcast %lt3A_300 : i32 to vector<16xi32>
      %lt3A_302 = arith.cmpi slt, %get3A_297, %lt3A_301 : vector<16xi32>
      %jit3A_303 = arith.constant 0 : i32
      %broadcast_in_dim3A_304 = vector.broadcast %jit3A_303 : i32 to vector<16xi32>
      %select_n3A_305 = arith.select %lt3A_302, %get3A_297, %broadcast_in_dim3A_304 : vector<16xi1>, vector<16xi32>
      %lt3A_306 = arith.constant 999936 : i32
      %lt3A_307 = vector.broadcast %lt3A_306 : i32 to vector<16xi32>
      %lt3A_308 = arith.cmpi slt, %get3A_299, %lt3A_307 : vector<16xi32>
      %jit3A_309 = arith.constant 0 : i32
      %broadcast_in_dim3A_310 = vector.broadcast %jit3A_309 : i32 to vector<16xi32>
      %select_n3A_311 = arith.select %lt3A_308, %get3A_299, %broadcast_in_dim3A_310 : vector<16xi1>, vector<16xi32>
      %shift_right_logical3A_312 = arith.constant 7 : i32
      %shift_right_logical3A_313 = vector.broadcast %shift_right_logical3A_312 : i32 to vector<16xi32>
      %shift_right_logical3A_314 = arith.shrui %select_n3A_305, %shift_right_logical3A_313 : vector<16xi32>
      %mul3A_315 = arith.constant 256 : i32
      %mul3A_316 = vector.broadcast %mul3A_315 : i32 to vector<16xi32>
      %mul3A_317 = arith.muli %shift_right_logical3A_314, %mul3A_316 : vector<16xi32>
      %and3A_318 = arith.constant 127 : i32
      %and3A_319 = vector.broadcast %and3A_318 : i32 to vector<16xi32>
      %and3A_320 = arith.andi %select_n3A_305, %and3A_319 : vector<16xi32>
      %add3A_321 = arith.addi %mul3A_317, %and3A_320 : vector<16xi32>
      %shift_right_logical3A_322 = arith.constant 7 : i32
      %shift_right_logical3A_323 = vector.broadcast %shift_right_logical3A_322 : i32 to vector<16xi32>
      %shift_right_logical3A_324 = arith.shrui %select_n3A_311, %shift_right_logical3A_323 : vector<16xi32>
      %mul3A_325 = arith.constant 256 : i32
      %mul3A_326 = vector.broadcast %mul3A_325 : i32 to vector<16xi32>
      %mul3A_327 = arith.muli %shift_right_logical3A_324, %mul3A_326 : vector<16xi32>
      %and3A_328 = arith.constant 127 : i32
      %and3A_329 = vector.broadcast %and3A_328 : i32 to vector<16xi32>
      %and3A_330 = arith.andi %select_n3A_311, %and3A_329 : vector<16xi32>
      %add3A_331 = arith.addi %mul3A_327, %and3A_330 : vector<16xi32>
      %swap3A_332 = arith.index_cast %add3A_295 : i32 to index
      %swap3A_333 = tpu.vector_load %arg10[%swap3A_332] {strides = array<i32>} : memref<512xi32, #tpu.memory_space<vmem>>, vector<16xi32>,
      tpu.vector_store %arg10[%swap3A_332], %add3A_321 {strides = array<i32>} : memref<512xi32, #tpu.memory_space<vmem>>, vector<16xi32>,
      %add3A_334 = arith.constant 128 : i32
      %add3A_335 = vector.broadcast %add3A_334 : i32 to vector<16xi32>
      %add3A_336 = arith.addi %add3A_321, %add3A_335 : vector<16xi32>
      %swap3A_337 = arith.index_cast %add3A_295 : i32 to index
      %swap3A_338 = tpu.vector_load %arg11[%swap3A_337] {strides = array<i32>} : memref<512xi32, #tpu.memory_space<vmem>>, vector<16xi32>,
      tpu.vector_store %arg11[%swap3A_337], %add3A_336 {strides = array<i32>} : memref<512xi32, #tpu.memory_space<vmem>>, vector<16xi32>,
      %swap3A_339 = arith.index_cast %add3A_295 : i32 to index
      %swap3A_340 = tpu.vector_load %arg12[%swap3A_339] {strides = array<i32>} : memref<512xi32, #tpu.memory_space<vmem>>, vector<16xi32>,
      tpu.vector_store %arg12[%swap3A_339], %add3A_331 {strides = array<i32>} : memref<512xi32, #tpu.memory_space<vmem>>, vector<16xi32>,
      %add3A_341 = arith.constant 128 : i32
      %add3A_342 = vector.broadcast %add3A_341 : i32 to vector<16xi32>
      %add3A_343 = arith.addi %add3A_331, %add3A_342 : vector<16xi32>
      %swap3A_344 = arith.index_cast %add3A_295 : i32 to index
      %swap3A_345 = tpu.vector_load %arg13[%swap3A_344] {strides = array<i32>} : memref<512xi32, #tpu.memory_space<vmem>>, vector<16xi32>,
      tpu.vector_store %arg13[%swap3A_344], %add3A_343 {strides = array<i32>} : memref<512xi32, #tpu.memory_space<vmem>>, vector<16xi32>,
      %scan3A_346 = arith.constant 0 : i32
      %scan3A_347 = arith.constant 2 : i32
      %scan3A_348 = arith.addi %scan3A_240, %scan3A_347 : i32
      %mul3A_349 = arith.constant 16 : i32
      %mul3A_350 = arith.muli %scan3A_348, %mul3A_349 : i32
      %add3A_351 = arith.constant 256 : i32
      %add3A_352 = arith.addi %add3A_351, %mul3A_350 : i32
      %get3A_353 = arith.index_cast %add3A_352 : i32 to index
      %get3A_354 = tpu.vector_load %arg8[%get3A_353] {strides = array<i32>} : memref<512xi32, #tpu.memory_space<vmem>>, vector<16xi32>,
      %get3A_355 = arith.index_cast %add3A_352 : i32 to index
      %get3A_356 = tpu.vector_load %arg9[%get3A_355] {strides = array<i32>} : memref<512xi32, #tpu.memory_space<vmem>>, vector<16xi32>,
      %lt3A_357 = arith.constant 999936 : i32
      %lt3A_358 = vector.broadcast %lt3A_357 : i32 to vector<16xi32>
      %lt3A_359 = arith.cmpi slt, %get3A_354, %lt3A_358 : vector<16xi32>
      %jit3A_360 = arith.constant 0 : i32
      %broadcast_in_dim3A_361 = vector.broadcast %jit3A_360 : i32 to vector<16xi32>
      %select_n3A_362 = arith.select %lt3A_359, %get3A_354, %broadcast_in_dim3A_361 : vector<16xi1>, vector<16xi32>
      %lt3A_363 = arith.constant 999936 : i32
      %lt3A_364 = vector.broadcast %lt3A_363 : i32 to vector<16xi32>
      %lt3A_365 = arith.cmpi slt, %get3A_356, %lt3A_364 : vector<16xi32>
      %jit3A_366 = arith.constant 0 : i32
      %broadcast_in_dim3A_367 = vector.broadcast %jit3A_366 : i32 to vector<16xi32>
      %select_n3A_368 = arith.select %lt3A_365, %get3A_356, %broadcast_in_dim3A_367 : vector<16xi1>, vector<16xi32>
      %shift_right_logical3A_369 = arith.constant 7 : i32
      %shift_right_logical3A_370 = vector.broadcast %shift_right_logical3A_369 : i32 to vector<16xi32>
      %shift_right_logical3A_371 = arith.shrui %select_n3A_362, %shift_right_logical3A_370 : vector<16xi32>
      %mul3A_372 = arith.constant 256 : i32
      %mul3A_373 = vector.broadcast %mul3A_372 : i32 to vector<16xi32>
      %mul3A_374 = arith.muli %shift_right_logical3A_371, %mul3A_373 : vector<16xi32>
      %and3A_375 = arith.constant 127 : i32
      %and3A_376 = vector.broadcast %and3A_375 : i32 to vector<16xi32>
      %and3A_377 = arith.andi %select_n3A_362, %and3A_376 : vector<16xi32>
      %add3A_378 = arith.addi %mul3A_374, %and3A_377 : vector<16xi32>
      %shift_right_logical3A_379 = arith.constant 7 : i32
      %shift_right_logical3A_380 = vector.broadcast %shift_right_logical3A_379 : i32 to vector<16xi32>
      %shift_right_logical3A_381 = arith.shrui %select_n3A_368, %shift_right_logical3A_380 : vector<16xi32>
      %mul3A_382 = arith.constant 256 : i32
      %mul3A_383 = vector.broadcast %mul3A_382 : i32 to vector<16xi32>
      %mul3A_384 = arith.muli %shift_right_logical3A_381, %mul3A_383 : vector<16xi32>
      %and3A_385 = arith.constant 127 : i32
      %and3A_386 = vector.broadcast %and3A_385 : i32 to vector<16xi32>
      %and3A_387 = arith.andi %select_n3A_368, %and3A_386 : vector<16xi32>
      %add3A_388 = arith.addi %mul3A_384, %and3A_387 : vector<16xi32>
      %swap3A_389 = arith.index_cast %add3A_352 : i32 to index
      %swap3A_390 = tpu.vector_load %arg10[%swap3A_389] {strides = array<i32>} : memref<512xi32, #tpu.memory_space<vmem>>, vector<16xi32>,
      tpu.vector_store %arg10[%swap3A_389], %add3A_378 {strides = array<i32>} : memref<512xi32, #tpu.memory_space<vmem>>, vector<16xi32>,
      %add3A_391 = arith.constant 128 : i32
      %add3A_392 = vector.broadcast %add3A_391 : i32 to vector<16xi32>
      %add3A_393 = arith.addi %add3A_378, %add3A_392 : vector<16xi32>
      %swap3A_394 = arith.index_cast %add3A_352 : i32 to index
      %swap3A_395 = tpu.vector_load %arg11[%swap3A_394] {strides = array<i32>} : memref<512xi32, #tpu.memory_space<vmem>>, vector<16xi32>,
      tpu.vector_store %arg11[%swap3A_394], %add3A_393 {strides = array<i32>} : memref<512xi32, #tpu.memory_space<vmem>>, vector<16xi32>,
      %swap3A_396 = arith.index_cast %add3A_352 : i32 to index
      %swap3A_397 = tpu.vector_load %arg12[%swap3A_396] {strides = array<i32>} : memref<512xi32, #tpu.memory_space<vmem>>, vector<16xi32>,
      tpu.vector_store %arg12[%swap3A_396], %add3A_388 {strides = array<i32>} : memref<512xi32, #tpu.memory_space<vmem>>, vector<16xi32>,
      %add3A_398 = arith.constant 128 : i32
      %add3A_399 = vector.broadcast %add3A_398 : i32 to vector<16xi32>
      %add3A_400 = arith.addi %add3A_388, %add3A_399 : vector<16xi32>
      %swap3A_401 = arith.index_cast %add3A_352 : i32 to index
      %swap3A_402 = tpu.vector_load %arg13[%swap3A_401] {strides = array<i32>} : memref<512xi32, #tpu.memory_space<vmem>>, vector<16xi32>,
      tpu.vector_store %arg13[%swap3A_401], %add3A_400 {strides = array<i32>} : memref<512xi32, #tpu.memory_space<vmem>>, vector<16xi32>,
      %scan3A_403 = arith.constant 0 : i32
      %scan3A_404 = arith.constant 3 : i32
      %scan3A_405 = arith.addi %scan3A_240, %scan3A_404 : i32
      %mul3A_406 = arith.constant 16 : i32
      %mul3A_407 = arith.muli %scan3A_405, %mul3A_406 : i32
      %add3A_408 = arith.constant 256 : i32
      %add3A_409 = arith.addi %add3A_408, %mul3A_407 : i32
      %get3A_410 = arith.index_cast %add3A_409 : i32 to index
      %get3A_411 = tpu.vector_load %arg8[%get3A_410] {strides = array<i32>} : memref<512xi32, #tpu.memory_space<vmem>>, vector<16xi32>,
      %get3A_412 = arith.index_cast %add3A_409 : i32 to index
      %get3A_413 = tpu.vector_load %arg9[%get3A_412] {strides = array<i32>} : memref<512xi32, #tpu.memory_space<vmem>>, vector<16xi32>,
      %lt3A_414 = arith.constant 999936 : i32
      %lt3A_415 = vector.broadcast %lt3A_414 : i32 to vector<16xi32>
      %lt3A_416 = arith.cmpi slt, %get3A_411, %lt3A_415 : vector<16xi32>
      %jit3A_417 = arith.constant 0 : i32
      %broadcast_in_dim3A_418 = vector.broadcast %jit3A_417 : i32 to vector<16xi32>
      %select_n3A_419 = arith.select %lt3A_416, %get3A_411, %broadcast_in_dim3A_418 : vector<16xi1>, vector<16xi32>
      %lt3A_420 = arith.constant 999936 : i32
      %lt3A_421 = vector.broadcast %lt3A_420 : i32 to vector<16xi32>
      %lt3A_422 = arith.cmpi slt, %get3A_413, %lt3A_421 : vector<16xi32>
      %jit3A_423 = arith.constant 0 : i32
      %broadcast_in_dim3A_424 = vector.broadcast %jit3A_423 : i32 to vector<16xi32>
      %select_n3A_425 = arith.select %lt3A_422, %get3A_413, %broadcast_in_dim3A_424 : vector<16xi1>, vector<16xi32>
      %shift_right_logical3A_426 = arith.constant 7 : i32
      %shift_right_logical3A_427 = vector.broadcast %shift_right_logical3A_426 : i32 to vector<16xi32>
      %shift_right_logical3A_428 = arith.shrui %select_n3A_419, %shift_right_logical3A_427 : vector<16xi32>
      %mul3A_429 = arith.constant 256 : i32
      %mul3A_430 = vector.broadcast %mul3A_429 : i32 to vector<16xi32>
      %mul3A_431 = arith.muli %shift_right_logical3A_428, %mul3A_430 : vector<16xi32>
      %and3A_432 = arith.constant 127 : i32
      %and3A_433 = vector.broadcast %and3A_432 : i32 to vector<16xi32>
      %and3A_434 = arith.andi %select_n3A_419, %and3A_433 : vector<16xi32>
      %add3A_435 = arith.addi %mul3A_431, %and3A_434 : vector<16xi32>
      %shift_right_logical3A_436 = arith.constant 7 : i32
      %shift_right_logical3A_437 = vector.broadcast %shift_right_logical3A_436 : i32 to vector<16xi32>
      %shift_right_logical3A_438 = arith.shrui %select_n3A_425, %shift_right_logical3A_437 : vector<16xi32>
      %mul3A_439 = arith.constant 256 : i32
      %mul3A_440 = vector.broadcast %mul3A_439 : i32 to vector<16xi32>
      %mul3A_441 = arith.muli %shift_right_logical3A_438, %mul3A_440 : vector<16xi32>
      %and3A_442 = arith.constant 127 : i32
      %and3A_443 = vector.broadcast %and3A_442 : i32 to vector<16xi32>
      %and3A_444 = arith.andi %select_n3A_425, %and3A_443 : vector<16xi32>
      %add3A_445 = arith.addi %mul3A_441, %and3A_444 : vector<16xi32>
      %swap3A_446 = arith.index_cast %add3A_409 : i32 to index
      %swap3A_447 = tpu.vector_load %arg10[%swap3A_446] {strides = array<i32>} : memref<512xi32, #tpu.memory_space<vmem>>, vector<16xi32>,
      tpu.vector_store %arg10[%swap3A_446], %add3A_435 {strides = array<i32>} : memref<512xi32, #tpu.memory_space<vmem>>, vector<16xi32>,
      %add3A_448 = arith.constant 128 : i32
      %add3A_449 = vector.broadcast %add3A_448 : i32 to vector<16xi32>
      %add3A_450 = arith.addi %add3A_435, %add3A_449 : vector<16xi32>
      %swap3A_451 = arith.index_cast %add3A_409 : i32 to index
      %swap3A_452 = tpu.vector_load %arg11[%swap3A_451] {strides = array<i32>} : memref<512xi32, #tpu.memory_space<vmem>>, vector<16xi32>,
      tpu.vector_store %arg11[%swap3A_451], %add3A_450 {strides = array<i32>} : memref<512xi32, #tpu.memory_space<vmem>>, vector<16xi32>,
      %swap3A_453 = arith.index_cast %add3A_409 : i32 to index
      %swap3A_454 = tpu.vector_load %arg12[%swap3A_453] {strides = array<i32>} : memref<512xi32, #tpu.memory_space<vmem>>, vector<16xi32>,
      tpu.vector_store %arg12[%swap3A_453], %add3A_445 {strides = array<i32>} : memref<512xi32, #tpu.memory_space<vmem>>, vector<16xi32>,
      %add3A_455 = arith.constant 128 : i32
      %add3A_456 = vector.broadcast %add3A_455 : i32 to vector<16xi32>
      %add3A_457 = arith.addi %add3A_445, %add3A_456 : vector<16xi32>
      %swap3A_458 = arith.index_cast %add3A_409 : i32 to index
      %swap3A_459 = tpu.vector_load %arg13[%swap3A_458] {strides = array<i32>} : memref<512xi32, #tpu.memory_space<vmem>>, vector<16xi32>,
      tpu.vector_store %arg13[%swap3A_458], %add3A_457 {strides = array<i32>} : memref<512xi32, #tpu.memory_space<vmem>>, vector<16xi32>,
      %scan3A_460 = arith.constant 0 : i32
      scf.yield %scan3A_460 : i32
    }
    %scan3A_76 = arith.constant 8 : i32
    %dma_start3A_77 = arith.constant 256 : i32
    %dma_start3A_78 = tpu.memref_slice %arg14[%dma_start3A_77] : memref<512xf32, #tpu.memory_space<vmem>> -> memref<128xf32, #tpu.memory_space<vmem>>
    %dma_start3A_79 = arith.constant 256 : i32
    %dma_start3A_80 = tpu.memref_slice %arg10[%dma_start3A_79] : memref<512xi32, #tpu.memory_space<vmem>> -> memref<128xi32, #tpu.memory_space<vmem>>
    %dma_start3A_81 = arith.constant 0 : i32
    %dma_start3A_82 = tpu.memref_slice %arg4[%dma_start3A_81] : memref<1999872xf32, #tpu.memory_space<hbm>> -> memref<1999872xf32, #tpu.memory_space<hbm>>
    tpu.enqueue_indirect_dma source(%dma_start3A_82 : memref<1999872xf32, #tpu.memory_space<hbm>>) target(%dma_start3A_78 : memref<128xf32, #tpu.memory_space<vmem>>) offsets(%dma_start3A_80 : memref<128xi32, #tpu.memory_space<vmem>>) semaphore(%arg20 : memref<!tpu.dma_semaphore, #tpu.memory_space<semaphore_mem>>)
    %dma_start3A_83 = arith.constant 256 : i32
    %dma_start3A_84 = tpu.memref_slice %arg15[%dma_start3A_83] : memref<512xf32, #tpu.memory_space<vmem>> -> memref<128xf32, #tpu.memory_space<vmem>>
    %dma_start3A_85 = arith.constant 256 : i32
    %dma_start3A_86 = tpu.memref_slice %arg11[%dma_start3A_85] : memref<512xi32, #tpu.memory_space<vmem>> -> memref<128xi32, #tpu.memory_space<vmem>>
    %dma_start3A_87 = arith.constant 0 : i32
    %dma_start3A_88 = tpu.memref_slice %arg4[%dma_start3A_87] : memref<1999872xf32, #tpu.memory_space<hbm>> -> memref<1999872xf32, #tpu.memory_space<hbm>>
    tpu.enqueue_indirect_dma source(%dma_start3A_88 : memref<1999872xf32, #tpu.memory_space<hbm>>) target(%dma_start3A_84 : memref<128xf32, #tpu.memory_space<vmem>>) offsets(%dma_start3A_86 : memref<128xi32, #tpu.memory_space<vmem>>) semaphore(%arg20 : memref<!tpu.dma_semaphore, #tpu.memory_space<semaphore_mem>>)
    %dma_start3A_89 = arith.constant 256 : i32
    %dma_start3A_90 = tpu.memref_slice %arg16[%dma_start3A_89] : memref<512xf32, #tpu.memory_space<vmem>> -> memref<128xf32, #tpu.memory_space<vmem>>
    %dma_start3A_91 = arith.constant 256 : i32
    %dma_start3A_92 = tpu.memref_slice %arg12[%dma_start3A_91] : memref<512xi32, #tpu.memory_space<vmem>> -> memref<128xi32, #tpu.memory_space<vmem>>
    %dma_start3A_93 = arith.constant 0 : i32
    %dma_start3A_94 = tpu.memref_slice %arg5[%dma_start3A_93] : memref<1999872xf32, #tpu.memory_space<hbm>> -> memref<1999872xf32, #tpu.memory_space<hbm>>
    tpu.enqueue_indirect_dma source(%dma_start3A_94 : memref<1999872xf32, #tpu.memory_space<hbm>>) target(%dma_start3A_90 : memref<128xf32, #tpu.memory_space<vmem>>) offsets(%dma_start3A_92 : memref<128xi32, #tpu.memory_space<vmem>>) semaphore(%arg20 : memref<!tpu.dma_semaphore, #tpu.memory_space<semaphore_mem>>)
    %dma_start3A_95 = arith.constant 256 : i32
    %dma_start3A_96 = tpu.memref_slice %arg17[%dma_start3A_95] : memref<512xf32, #tpu.memory_space<vmem>> -> memref<128xf32, #tpu.memory_space<vmem>>
    %dma_start3A_97 = arith.constant 256 : i32
    %dma_start3A_98 = tpu.memref_slice %arg13[%dma_start3A_97] : memref<512xi32, #tpu.memory_space<vmem>> -> memref<128xi32, #tpu.memory_space<vmem>>
    %dma_start3A_99 = arith.constant 0 : i32
    %dma_start3A_100 = tpu.memref_slice %arg5[%dma_start3A_99] : memref<1999872xf32, #tpu.memory_space<hbm>> -> memref<1999872xf32, #tpu.memory_space<hbm>>
    tpu.enqueue_indirect_dma source(%dma_start3A_100 : memref<1999872xf32, #tpu.memory_space<hbm>>) target(%dma_start3A_96 : memref<128xf32, #tpu.memory_space<vmem>>) offsets(%dma_start3A_98 : memref<128xi32, #tpu.memory_space<vmem>>) semaphore(%arg20 : memref<!tpu.dma_semaphore, #tpu.memory_space<semaphore_mem>>)
    %scan3A_101 = arith.constant 0 : i32
    %scan3A_102 = arith.constant 0 : i32
    %scan3A_103 = arith.constant 8 : i32
    %scan3A_104 = arith.addi %scan3A_102, %scan3A_103 : i32
    %scan3A_105 = arith.constant 4 : i32
    %scan3A_106 = scf.for %scan3A_240 = %scan3A_102 to %scan3A_104 step %scan3A_105 iter_args(%scan3A_241 = %scan3A_101) -> (i32)  : i32 {
      %mul3A_242 = arith.constant 16 : i32
      %mul3A_243 = arith.muli %scan3A_240, %mul3A_242 : i32
      %add3A_244 = arith.constant 384 : i32
      %add3A_245 = arith.addi %add3A_244, %mul3A_243 : i32
      %get3A_246 = arith.index_cast %add3A_245 : i32 to index
      %get3A_247 = tpu.vector_load %arg8[%get3A_246] {strides = array<i32>} : memref<512xi32, #tpu.memory_space<vmem>>, vector<16xi32>,
      %get3A_248 = arith.index_cast %add3A_245 : i32 to index
      %get3A_249 = tpu.vector_load %arg9[%get3A_248] {strides = array<i32>} : memref<512xi32, #tpu.memory_space<vmem>>, vector<16xi32>,
      %lt3A = arith.constant 999936 : i32
      %lt3A_250 = vector.broadcast %lt3A : i32 to vector<16xi32>
      %lt3A_251 = arith.cmpi slt, %get3A_247, %lt3A_250 : vector<16xi32>
      %jit3A = arith.constant 0 : i32
      %broadcast_in_dim3A = vector.broadcast %jit3A : i32 to vector<16xi32>
      %select_n3A = arith.select %lt3A_251, %get3A_247, %broadcast_in_dim3A : vector<16xi1>, vector<16xi32>
      %lt3A_252 = arith.constant 999936 : i32
      %lt3A_253 = vector.broadcast %lt3A_252 : i32 to vector<16xi32>
      %lt3A_254 = arith.cmpi slt, %get3A_249, %lt3A_253 : vector<16xi32>
      %jit3A_255 = arith.constant 0 : i32
      %broadcast_in_dim3A_256 = vector.broadcast %jit3A_255 : i32 to vector<16xi32>
      %select_n3A_257 = arith.select %lt3A_254, %get3A_249, %broadcast_in_dim3A_256 : vector<16xi1>, vector<16xi32>
      %shift_right_logical3A = arith.constant 7 : i32
      %shift_right_logical3A_258 = vector.broadcast %shift_right_logical3A : i32 to vector<16xi32>
      %shift_right_logical3A_259 = arith.shrui %select_n3A, %shift_right_logical3A_258 : vector<16xi32>
      %mul3A_260 = arith.constant 256 : i32
      %mul3A_261 = vector.broadcast %mul3A_260 : i32 to vector<16xi32>
      %mul3A_262 = arith.muli %shift_right_logical3A_259, %mul3A_261 : vector<16xi32>
      %and3A = arith.constant 127 : i32
      %and3A_263 = vector.broadcast %and3A : i32 to vector<16xi32>
      %and3A_264 = arith.andi %select_n3A, %and3A_263 : vector<16xi32>
      %add3A_265 = arith.addi %mul3A_262, %and3A_264 : vector<16xi32>
      %shift_right_logical3A_266 = arith.constant 7 : i32
      %shift_right_logical3A_267 = vector.broadcast %shift_right_logical3A_266 : i32 to vector<16xi32>
      %shift_right_logical3A_268 = arith.shrui %select_n3A_257, %shift_right_logical3A_267 : vector<16xi32>
      %mul3A_269 = arith.constant 256 : i32
      %mul3A_270 = vector.broadcast %mul3A_269 : i32 to vector<16xi32>
      %mul3A_271 = arith.muli %shift_right_logical3A_268, %mul3A_270 : vector<16xi32>
      %and3A_272 = arith.constant 127 : i32
      %and3A_273 = vector.broadcast %and3A_272 : i32 to vector<16xi32>
      %and3A_274 = arith.andi %select_n3A_257, %and3A_273 : vector<16xi32>
      %add3A_275 = arith.addi %mul3A_271, %and3A_274 : vector<16xi32>
      %swap3A = arith.index_cast %add3A_245 : i32 to index
      %swap3A_276 = tpu.vector_load %arg10[%swap3A] {strides = array<i32>} : memref<512xi32, #tpu.memory_space<vmem>>, vector<16xi32>,
      tpu.vector_store %arg10[%swap3A], %add3A_265 {strides = array<i32>} : memref<512xi32, #tpu.memory_space<vmem>>, vector<16xi32>,
      %add3A_277 = arith.constant 128 : i32
      %add3A_278 = vector.broadcast %add3A_277 : i32 to vector<16xi32>
      %add3A_279 = arith.addi %add3A_265, %add3A_278 : vector<16xi32>
      %swap3A_280 = arith.index_cast %add3A_245 : i32 to index
      %swap3A_281 = tpu.vector_load %arg11[%swap3A_280] {strides = array<i32>} : memref<512xi32, #tpu.memory_space<vmem>>, vector<16xi32>,
      tpu.vector_store %arg11[%swap3A_280], %add3A_279 {strides = array<i32>} : memref<512xi32, #tpu.memory_space<vmem>>, vector<16xi32>,
      %swap3A_282 = arith.index_cast %add3A_245 : i32 to index
      %swap3A_283 = tpu.vector_load %arg12[%swap3A_282] {strides = array<i32>} : memref<512xi32, #tpu.memory_space<vmem>>, vector<16xi32>,
      tpu.vector_store %arg12[%swap3A_282], %add3A_275 {strides = array<i32>} : memref<512xi32, #tpu.memory_space<vmem>>, vector<16xi32>,
      %add3A_284 = arith.constant 128 : i32
      %add3A_285 = vector.broadcast %add3A_284 : i32 to vector<16xi32>
      %add3A_286 = arith.addi %add3A_275, %add3A_285 : vector<16xi32>
      %swap3A_287 = arith.index_cast %add3A_245 : i32 to index
      %swap3A_288 = tpu.vector_load %arg13[%swap3A_287] {strides = array<i32>} : memref<512xi32, #tpu.memory_space<vmem>>, vector<16xi32>,
      tpu.vector_store %arg13[%swap3A_287], %add3A_286 {strides = array<i32>} : memref<512xi32, #tpu.memory_space<vmem>>, vector<16xi32>,
      %scan3A_289 = arith.constant 0 : i32
      %scan3A_290 = arith.constant 1 : i32
      %scan3A_291 = arith.addi %scan3A_240, %scan3A_290 : i32
      %mul3A_292 = arith.constant 16 : i32
      %mul3A_293 = arith.muli %scan3A_291, %mul3A_292 : i32
      %add3A_294 = arith.constant 384 : i32
      %add3A_295 = arith.addi %add3A_294, %mul3A_293 : i32
      %get3A_296 = arith.index_cast %add3A_295 : i32 to index
      %get3A_297 = tpu.vector_load %arg8[%get3A_296] {strides = array<i32>} : memref<512xi32, #tpu.memory_space<vmem>>, vector<16xi32>,
      %get3A_298 = arith.index_cast %add3A_295 : i32 to index
      %get3A_299 = tpu.vector_load %arg9[%get3A_298] {strides = array<i32>} : memref<512xi32, #tpu.memory_space<vmem>>, vector<16xi32>,
      %lt3A_300 = arith.constant 999936 : i32
      %lt3A_301 = vector.broadcast %lt3A_300 : i32 to vector<16xi32>
      %lt3A_302 = arith.cmpi slt, %get3A_297, %lt3A_301 : vector<16xi32>
      %jit3A_303 = arith.constant 0 : i32
      %broadcast_in_dim3A_304 = vector.broadcast %jit3A_303 : i32 to vector<16xi32>
      %select_n3A_305 = arith.select %lt3A_302, %get3A_297, %broadcast_in_dim3A_304 : vector<16xi1>, vector<16xi32>
      %lt3A_306 = arith.constant 999936 : i32
      %lt3A_307 = vector.broadcast %lt3A_306 : i32 to vector<16xi32>
      %lt3A_308 = arith.cmpi slt, %get3A_299, %lt3A_307 : vector<16xi32>
      %jit3A_309 = arith.constant 0 : i32
      %broadcast_in_dim3A_310 = vector.broadcast %jit3A_309 : i32 to vector<16xi32>
      %select_n3A_311 = arith.select %lt3A_308, %get3A_299, %broadcast_in_dim3A_310 : vector<16xi1>, vector<16xi32>
      %shift_right_logical3A_312 = arith.constant 7 : i32
      %shift_right_logical3A_313 = vector.broadcast %shift_right_logical3A_312 : i32 to vector<16xi32>
      %shift_right_logical3A_314 = arith.shrui %select_n3A_305, %shift_right_logical3A_313 : vector<16xi32>
      %mul3A_315 = arith.constant 256 : i32
      %mul3A_316 = vector.broadcast %mul3A_315 : i32 to vector<16xi32>
      %mul3A_317 = arith.muli %shift_right_logical3A_314, %mul3A_316 : vector<16xi32>
      %and3A_318 = arith.constant 127 : i32
      %and3A_319 = vector.broadcast %and3A_318 : i32 to vector<16xi32>
      %and3A_320 = arith.andi %select_n3A_305, %and3A_319 : vector<16xi32>
      %add3A_321 = arith.addi %mul3A_317, %and3A_320 : vector<16xi32>
      %shift_right_logical3A_322 = arith.constant 7 : i32
      %shift_right_logical3A_323 = vector.broadcast %shift_right_logical3A_322 : i32 to vector<16xi32>
      %shift_right_logical3A_324 = arith.shrui %select_n3A_311, %shift_right_logical3A_323 : vector<16xi32>
      %mul3A_325 = arith.constant 256 : i32
      %mul3A_326 = vector.broadcast %mul3A_325 : i32 to vector<16xi32>
      %mul3A_327 = arith.muli %shift_right_logical3A_324, %mul3A_326 : vector<16xi32>
      %and3A_328 = arith.constant 127 : i32
      %and3A_329 = vector.broadcast %and3A_328 : i32 to vector<16xi32>
      %and3A_330 = arith.andi %select_n3A_311, %and3A_329 : vector<16xi32>
      %add3A_331 = arith.addi %mul3A_327, %and3A_330 : vector<16xi32>
      %swap3A_332 = arith.index_cast %add3A_295 : i32 to index
      %swap3A_333 = tpu.vector_load %arg10[%swap3A_332] {strides = array<i32>} : memref<512xi32, #tpu.memory_space<vmem>>, vector<16xi32>,
      tpu.vector_store %arg10[%swap3A_332], %add3A_321 {strides = array<i32>} : memref<512xi32, #tpu.memory_space<vmem>>, vector<16xi32>,
      %add3A_334 = arith.constant 128 : i32
      %add3A_335 = vector.broadcast %add3A_334 : i32 to vector<16xi32>
      %add3A_336 = arith.addi %add3A_321, %add3A_335 : vector<16xi32>
      %swap3A_337 = arith.index_cast %add3A_295 : i32 to index
      %swap3A_338 = tpu.vector_load %arg11[%swap3A_337] {strides = array<i32>} : memref<512xi32, #tpu.memory_space<vmem>>, vector<16xi32>,
      tpu.vector_store %arg11[%swap3A_337], %add3A_336 {strides = array<i32>} : memref<512xi32, #tpu.memory_space<vmem>>, vector<16xi32>,
      %swap3A_339 = arith.index_cast %add3A_295 : i32 to index
      %swap3A_340 = tpu.vector_load %arg12[%swap3A_339] {strides = array<i32>} : memref<512xi32, #tpu.memory_space<vmem>>, vector<16xi32>,
      tpu.vector_store %arg12[%swap3A_339], %add3A_331 {strides = array<i32>} : memref<512xi32, #tpu.memory_space<vmem>>, vector<16xi32>,
      %add3A_341 = arith.constant 128 : i32
      %add3A_342 = vector.broadcast %add3A_341 : i32 to vector<16xi32>
      %add3A_343 = arith.addi %add3A_331, %add3A_342 : vector<16xi32>
      %swap3A_344 = arith.index_cast %add3A_295 : i32 to index
      %swap3A_345 = tpu.vector_load %arg13[%swap3A_344] {strides = array<i32>} : memref<512xi32, #tpu.memory_space<vmem>>, vector<16xi32>,
      tpu.vector_store %arg13[%swap3A_344], %add3A_343 {strides = array<i32>} : memref<512xi32, #tpu.memory_space<vmem>>, vector<16xi32>,
      %scan3A_346 = arith.constant 0 : i32
      %scan3A_347 = arith.constant 2 : i32
      %scan3A_348 = arith.addi %scan3A_240, %scan3A_347 : i32
      %mul3A_349 = arith.constant 16 : i32
      %mul3A_350 = arith.muli %scan3A_348, %mul3A_349 : i32
      %add3A_351 = arith.constant 384 : i32
      %add3A_352 = arith.addi %add3A_351, %mul3A_350 : i32
      %get3A_353 = arith.index_cast %add3A_352 : i32 to index
      %get3A_354 = tpu.vector_load %arg8[%get3A_353] {strides = array<i32>} : memref<512xi32, #tpu.memory_space<vmem>>, vector<16xi32>,
      %get3A_355 = arith.index_cast %add3A_352 : i32 to index
      %get3A_356 = tpu.vector_load %arg9[%get3A_355] {strides = array<i32>} : memref<512xi32, #tpu.memory_space<vmem>>, vector<16xi32>,
      %lt3A_357 = arith.constant 999936 : i32
      %lt3A_358 = vector.broadcast %lt3A_357 : i32 to vector<16xi32>
      %lt3A_359 = arith.cmpi slt, %get3A_354, %lt3A_358 : vector<16xi32>
      %jit3A_360 = arith.constant 0 : i32
      %broadcast_in_dim3A_361 = vector.broadcast %jit3A_360 : i32 to vector<16xi32>
      %select_n3A_362 = arith.select %lt3A_359, %get3A_354, %broadcast_in_dim3A_361 : vector<16xi1>, vector<16xi32>
      %lt3A_363 = arith.constant 999936 : i32
      %lt3A_364 = vector.broadcast %lt3A_363 : i32 to vector<16xi32>
      %lt3A_365 = arith.cmpi slt, %get3A_356, %lt3A_364 : vector<16xi32>
      %jit3A_366 = arith.constant 0 : i32
      %broadcast_in_dim3A_367 = vector.broadcast %jit3A_366 : i32 to vector<16xi32>
      %select_n3A_368 = arith.select %lt3A_365, %get3A_356, %broadcast_in_dim3A_367 : vector<16xi1>, vector<16xi32>
      %shift_right_logical3A_369 = arith.constant 7 : i32
      %shift_right_logical3A_370 = vector.broadcast %shift_right_logical3A_369 : i32 to vector<16xi32>
      %shift_right_logical3A_371 = arith.shrui %select_n3A_362, %shift_right_logical3A_370 : vector<16xi32>
      %mul3A_372 = arith.constant 256 : i32
      %mul3A_373 = vector.broadcast %mul3A_372 : i32 to vector<16xi32>
      %mul3A_374 = arith.muli %shift_right_logical3A_371, %mul3A_373 : vector<16xi32>
      %and3A_375 = arith.constant 127 : i32
      %and3A_376 = vector.broadcast %and3A_375 : i32 to vector<16xi32>
      %and3A_377 = arith.andi %select_n3A_362, %and3A_376 : vector<16xi32>
      %add3A_378 = arith.addi %mul3A_374, %and3A_377 : vector<16xi32>
      %shift_right_logical3A_379 = arith.constant 7 : i32
      %shift_right_logical3A_380 = vector.broadcast %shift_right_logical3A_379 : i32 to vector<16xi32>
      %shift_right_logical3A_381 = arith.shrui %select_n3A_368, %shift_right_logical3A_380 : vector<16xi32>
      %mul3A_382 = arith.constant 256 : i32
      %mul3A_383 = vector.broadcast %mul3A_382 : i32 to vector<16xi32>
      %mul3A_384 = arith.muli %shift_right_logical3A_381, %mul3A_383 : vector<16xi32>
      %and3A_385 = arith.constant 127 : i32
      %and3A_386 = vector.broadcast %and3A_385 : i32 to vector<16xi32>
      %and3A_387 = arith.andi %select_n3A_368, %and3A_386 : vector<16xi32>
      %add3A_388 = arith.addi %mul3A_384, %and3A_387 : vector<16xi32>
      %swap3A_389 = arith.index_cast %add3A_352 : i32 to index
      %swap3A_390 = tpu.vector_load %arg10[%swap3A_389] {strides = array<i32>} : memref<512xi32, #tpu.memory_space<vmem>>, vector<16xi32>,
      tpu.vector_store %arg10[%swap3A_389], %add3A_378 {strides = array<i32>} : memref<512xi32, #tpu.memory_space<vmem>>, vector<16xi32>,
      %add3A_391 = arith.constant 128 : i32
      %add3A_392 = vector.broadcast %add3A_391 : i32 to vector<16xi32>
      %add3A_393 = arith.addi %add3A_378, %add3A_392 : vector<16xi32>
      %swap3A_394 = arith.index_cast %add3A_352 : i32 to index
      %swap3A_395 = tpu.vector_load %arg11[%swap3A_394] {strides = array<i32>} : memref<512xi32, #tpu.memory_space<vmem>>, vector<16xi32>,
      tpu.vector_store %arg11[%swap3A_394], %add3A_393 {strides = array<i32>} : memref<512xi32, #tpu.memory_space<vmem>>, vector<16xi32>,
      %swap3A_396 = arith.index_cast %add3A_352 : i32 to index
      %swap3A_397 = tpu.vector_load %arg12[%swap3A_396] {strides = array<i32>} : memref<512xi32, #tpu.memory_space<vmem>>, vector<16xi32>,
      tpu.vector_store %arg12[%swap3A_396], %add3A_388 {strides = array<i32>} : memref<512xi32, #tpu.memory_space<vmem>>, vector<16xi32>,
      %add3A_398 = arith.constant 128 : i32
      %add3A_399 = vector.broadcast %add3A_398 : i32 to vector<16xi32>
      %add3A_400 = arith.addi %add3A_388, %add3A_399 : vector<16xi32>
      %swap3A_401 = arith.index_cast %add3A_352 : i32 to index
      %swap3A_402 = tpu.vector_load %arg13[%swap3A_401] {strides = array<i32>} : memref<512xi32, #tpu.memory_space<vmem>>, vector<16xi32>,
      tpu.vector_store %arg13[%swap3A_401], %add3A_400 {strides = array<i32>} : memref<512xi32, #tpu.memory_space<vmem>>, vector<16xi32>,
      %scan3A_403 = arith.constant 0 : i32
      %scan3A_404 = arith.constant 3 : i32
      %scan3A_405 = arith.addi %scan3A_240, %scan3A_404 : i32
      %mul3A_406 = arith.constant 16 : i32
      %mul3A_407 = arith.muli %scan3A_405, %mul3A_406 : i32
      %add3A_408 = arith.constant 384 : i32
      %add3A_409 = arith.addi %add3A_408, %mul3A_407 : i32
      %get3A_410 = arith.index_cast %add3A_409 : i32 to index
      %get3A_411 = tpu.vector_load %arg8[%get3A_410] {strides = array<i32>} : memref<512xi32, #tpu.memory_space<vmem>>, vector<16xi32>,
      %get3A_412 = arith.index_cast %add3A_409 : i32 to index
      %get3A_413 = tpu.vector_load %arg9[%get3A_412] {strides = array<i32>} : memref<512xi32, #tpu.memory_space<vmem>>, vector<16xi32>,
      %lt3A_414 = arith.constant 999936 : i32
      %lt3A_415 = vector.broadcast %lt3A_414 : i32 to vector<16xi32>
      %lt3A_416 = arith.cmpi slt, %get3A_411, %lt3A_415 : vector<16xi32>
      %jit3A_417 = arith.constant 0 : i32
      %broadcast_in_dim3A_418 = vector.broadcast %jit3A_417 : i32 to vector<16xi32>
      %select_n3A_419 = arith.select %lt3A_416, %get3A_411, %broadcast_in_dim3A_418 : vector<16xi1>, vector<16xi32>
      %lt3A_420 = arith.constant 999936 : i32
      %lt3A_421 = vector.broadcast %lt3A_420 : i32 to vector<16xi32>
      %lt3A_422 = arith.cmpi slt, %get3A_413, %lt3A_421 : vector<16xi32>
      %jit3A_423 = arith.constant 0 : i32
      %broadcast_in_dim3A_424 = vector.broadcast %jit3A_423 : i32 to vector<16xi32>
      %select_n3A_425 = arith.select %lt3A_422, %get3A_413, %broadcast_in_dim3A_424 : vector<16xi1>, vector<16xi32>
      %shift_right_logical3A_426 = arith.constant 7 : i32
      %shift_right_logical3A_427 = vector.broadcast %shift_right_logical3A_426 : i32 to vector<16xi32>
      %shift_right_logical3A_428 = arith.shrui %select_n3A_419, %shift_right_logical3A_427 : vector<16xi32>
      %mul3A_429 = arith.constant 256 : i32
      %mul3A_430 = vector.broadcast %mul3A_429 : i32 to vector<16xi32>
      %mul3A_431 = arith.muli %shift_right_logical3A_428, %mul3A_430 : vector<16xi32>
      %and3A_432 = arith.constant 127 : i32
      %and3A_433 = vector.broadcast %and3A_432 : i32 to vector<16xi32>
      %and3A_434 = arith.andi %select_n3A_419, %and3A_433 : vector<16xi32>
      %add3A_435 = arith.addi %mul3A_431, %and3A_434 : vector<16xi32>
      %shift_right_logical3A_436 = arith.constant 7 : i32
      %shift_right_logical3A_437 = vector.broadcast %shift_right_logical3A_436 : i32 to vector<16xi32>
      %shift_right_logical3A_438 = arith.shrui %select_n3A_425, %shift_right_logical3A_437 : vector<16xi32>
      %mul3A_439 = arith.constant 256 : i32
      %mul3A_440 = vector.broadcast %mul3A_439 : i32 to vector<16xi32>
      %mul3A_441 = arith.muli %shift_right_logical3A_438, %mul3A_440 : vector<16xi32>
      %and3A_442 = arith.constant 127 : i32
      %and3A_443 = vector.broadcast %and3A_442 : i32 to vector<16xi32>
      %and3A_444 = arith.andi %select_n3A_425, %and3A_443 : vector<16xi32>
      %add3A_445 = arith.addi %mul3A_441, %and3A_444 : vector<16xi32>
      %swap3A_446 = arith.index_cast %add3A_409 : i32 to index
      %swap3A_447 = tpu.vector_load %arg10[%swap3A_446] {strides = array<i32>} : memref<512xi32, #tpu.memory_space<vmem>>, vector<16xi32>,
      tpu.vector_store %arg10[%swap3A_446], %add3A_435 {strides = array<i32>} : memref<512xi32, #tpu.memory_space<vmem>>, vector<16xi32>,
      %add3A_448 = arith.constant 128 : i32
      %add3A_449 = vector.broadcast %add3A_448 : i32 to vector<16xi32>
      %add3A_450 = arith.addi %add3A_435, %add3A_449 : vector<16xi32>
      %swap3A_451 = arith.index_cast %add3A_409 : i32 to index
      %swap3A_452 = tpu.vector_load %arg11[%swap3A_451] {strides = array<i32>} : memref<512xi32, #tpu.memory_space<vmem>>, vector<16xi32>,
      tpu.vector_store %arg11[%swap3A_451], %add3A_450 {strides = array<i32>} : memref<512xi32, #tpu.memory_space<vmem>>, vector<16xi32>,
      %swap3A_453 = arith.index_cast %add3A_409 : i32 to index
      %swap3A_454 = tpu.vector_load %arg12[%swap3A_453] {strides = array<i32>} : memref<512xi32, #tpu.memory_space<vmem>>, vector<16xi32>,
      tpu.vector_store %arg12[%swap3A_453], %add3A_445 {strides = array<i32>} : memref<512xi32, #tpu.memory_space<vmem>>, vector<16xi32>,
      %add3A_455 = arith.constant 128 : i32
      %add3A_456 = vector.broadcast %add3A_455 : i32 to vector<16xi32>
      %add3A_457 = arith.addi %add3A_445, %add3A_456 : vector<16xi32>
      %swap3A_458 = arith.index_cast %add3A_409 : i32 to index
      %swap3A_459 = tpu.vector_load %arg13[%swap3A_458] {strides = array<i32>} : memref<512xi32, #tpu.memory_space<vmem>>, vector<16xi32>,
      tpu.vector_store %arg13[%swap3A_458], %add3A_457 {strides = array<i32>} : memref<512xi32, #tpu.memory_space<vmem>>, vector<16xi32>,
      %scan3A_460 = arith.constant 0 : i32
      scf.yield %scan3A_460 : i32
    }
    %scan3A_107 = arith.constant 8 : i32
    %dma_start3A_108 = arith.constant 384 : i32
    %dma_start3A_109 = tpu.memref_slice %arg14[%dma_start3A_108] : memref<512xf32, #tpu.memory_space<vmem>> -> memref<128xf32, #tpu.memory_space<vmem>>
    %dma_start3A_110 = arith.constant 384 : i32
    %dma_start3A_111 = tpu.memref_slice %arg10[%dma_start3A_110] : memref<512xi32, #tpu.memory_space<vmem>> -> memref<128xi32, #tpu.memory_space<vmem>>
    %dma_start3A_112 = arith.constant 0 : i32
    %dma_start3A_113 = tpu.memref_slice %arg4[%dma_start3A_112] : memref<1999872xf32, #tpu.memory_space<hbm>> -> memref<1999872xf32, #tpu.memory_space<hbm>>
    tpu.enqueue_indirect_dma source(%dma_start3A_113 : memref<1999872xf32, #tpu.memory_space<hbm>>) target(%dma_start3A_109 : memref<128xf32, #tpu.memory_space<vmem>>) offsets(%dma_start3A_111 : memref<128xi32, #tpu.memory_space<vmem>>) semaphore(%arg20 : memref<!tpu.dma_semaphore, #tpu.memory_space<semaphore_mem>>)
    %dma_start3A_114 = arith.constant 384 : i32
    %dma_start3A_115 = tpu.memref_slice %arg15[%dma_start3A_114] : memref<512xf32, #tpu.memory_space<vmem>> -> memref<128xf32, #tpu.memory_space<vmem>>
    %dma_start3A_116 = arith.constant 384 : i32
    %dma_start3A_117 = tpu.memref_slice %arg11[%dma_start3A_116] : memref<512xi32, #tpu.memory_space<vmem>> -> memref<128xi32, #tpu.memory_space<vmem>>
    %dma_start3A_118 = arith.constant 0 : i32
    %dma_start3A_119 = tpu.memref_slice %arg4[%dma_start3A_118] : memref<1999872xf32, #tpu.memory_space<hbm>> -> memref<1999872xf32, #tpu.memory_space<hbm>>
    tpu.enqueue_indirect_dma source(%dma_start3A_119 : memref<1999872xf32, #tpu.memory_space<hbm>>) target(%dma_start3A_115 : memref<128xf32, #tpu.memory_space<vmem>>) offsets(%dma_start3A_117 : memref<128xi32, #tpu.memory_space<vmem>>) semaphore(%arg20 : memref<!tpu.dma_semaphore, #tpu.memory_space<semaphore_mem>>)
    %dma_start3A_120 = arith.constant 384 : i32
    %dma_start3A_121 = tpu.memref_slice %arg16[%dma_start3A_120] : memref<512xf32, #tpu.memory_space<vmem>> -> memref<128xf32, #tpu.memory_space<vmem>>
    %dma_start3A_122 = arith.constant 384 : i32
    %dma_start3A_123 = tpu.memref_slice %arg12[%dma_start3A_122] : memref<512xi32, #tpu.memory_space<vmem>> -> memref<128xi32, #tpu.memory_space<vmem>>
    %dma_start3A_124 = arith.constant 0 : i32
    %dma_start3A_125 = tpu.memref_slice %arg5[%dma_start3A_124] : memref<1999872xf32, #tpu.memory_space<hbm>> -> memref<1999872xf32, #tpu.memory_space<hbm>>
    tpu.enqueue_indirect_dma source(%dma_start3A_125 : memref<1999872xf32, #tpu.memory_space<hbm>>) target(%dma_start3A_121 : memref<128xf32, #tpu.memory_space<vmem>>) offsets(%dma_start3A_123 : memref<128xi32, #tpu.memory_space<vmem>>) semaphore(%arg20 : memref<!tpu.dma_semaphore, #tpu.memory_space<semaphore_mem>>)
    %dma_start3A_126 = arith.constant 384 : i32
    %dma_start3A_127 = tpu.memref_slice %arg17[%dma_start3A_126] : memref<512xf32, #tpu.memory_space<vmem>> -> memref<128xf32, #tpu.memory_space<vmem>>
    %dma_start3A_128 = arith.constant 384 : i32
    %dma_start3A_129 = tpu.memref_slice %arg13[%dma_start3A_128] : memref<512xi32, #tpu.memory_space<vmem>> -> memref<128xi32, #tpu.memory_space<vmem>>
    %dma_start3A_130 = arith.constant 0 : i32
    %dma_start3A_131 = tpu.memref_slice %arg5[%dma_start3A_130] : memref<1999872xf32, #tpu.memory_space<hbm>> -> memref<1999872xf32, #tpu.memory_space<hbm>>
    tpu.enqueue_indirect_dma source(%dma_start3A_131 : memref<1999872xf32, #tpu.memory_space<hbm>>) target(%dma_start3A_127 : memref<128xf32, #tpu.memory_space<vmem>>) offsets(%dma_start3A_129 : memref<128xi32, #tpu.memory_space<vmem>>) semaphore(%arg20 : memref<!tpu.dma_semaphore, #tpu.memory_space<semaphore_mem>>)
    %dma_wait3A_132 = arith.constant 0 : i32
    %dma_wait3A_133 = tpu.memref_slice %arg14[%dma_wait3A_132] : memref<512xf32, #tpu.memory_space<vmem>> -> memref<128xf32, #tpu.memory_space<vmem>>
    %dma_wait3A_134 = arith.constant 0 : i32
    %dma_wait3A_135 = tpu.memref_slice %arg10[%dma_wait3A_134] : memref<512xi32, #tpu.memory_space<vmem>> -> memref<128xi32, #tpu.memory_space<vmem>>
    %dma_wait3A_136 = arith.constant 0 : i32
    %dma_wait3A_137 = tpu.memref_slice %arg4[%dma_wait3A_136] : memref<1999872xf32, #tpu.memory_space<hbm>> -> memref<1999872xf32, #tpu.memory_space<hbm>>
    tpu.wait_indirect_dma semaphore(%arg20 : memref<!tpu.dma_semaphore, #tpu.memory_space<semaphore_mem>>) src(%dma_wait3A_137 : memref<1999872xf32, #tpu.memory_space<hbm>>) dst(%dma_wait3A_133 : memref<128xf32, #tpu.memory_space<vmem>>)
    %dma_wait3A_138 = arith.constant 0 : i32
    %dma_wait3A_139 = tpu.memref_slice %arg15[%dma_wait3A_138] : memref<512xf32, #tpu.memory_space<vmem>> -> memref<128xf32, #tpu.memory_space<vmem>>
    %dma_wait3A_140 = arith.constant 0 : i32
    %dma_wait3A_141 = tpu.memref_slice %arg11[%dma_wait3A_140] : memref<512xi32, #tpu.memory_space<vmem>> -> memref<128xi32, #tpu.memory_space<vmem>>
    %dma_wait3A_142 = arith.constant 0 : i32
    %dma_wait3A_143 = tpu.memref_slice %arg4[%dma_wait3A_142] : memref<1999872xf32, #tpu.memory_space<hbm>> -> memref<1999872xf32, #tpu.memory_space<hbm>>
    tpu.wait_indirect_dma semaphore(%arg20 : memref<!tpu.dma_semaphore, #tpu.memory_space<semaphore_mem>>) src(%dma_wait3A_143 : memref<1999872xf32, #tpu.memory_space<hbm>>) dst(%dma_wait3A_139 : memref<128xf32, #tpu.memory_space<vmem>>)
    %dma_wait3A_144 = arith.constant 0 : i32
    %dma_wait3A_145 = tpu.memref_slice %arg16[%dma_wait3A_144] : memref<512xf32, #tpu.memory_space<vmem>> -> memref<128xf32, #tpu.memory_space<vmem>>
    %dma_wait3A_146 = arith.constant 0 : i32
    %dma_wait3A_147 = tpu.memref_slice %arg12[%dma_wait3A_146] : memref<512xi32, #tpu.memory_space<vmem>> -> memref<128xi32, #tpu.memory_space<vmem>>
    %dma_wait3A_148 = arith.constant 0 : i32
    %dma_wait3A_149 = tpu.memref_slice %arg5[%dma_wait3A_148] : memref<1999872xf32, #tpu.memory_space<hbm>> -> memref<1999872xf32, #tpu.memory_space<hbm>>
    tpu.wait_indirect_dma semaphore(%arg20 : memref<!tpu.dma_semaphore, #tpu.memory_space<semaphore_mem>>) src(%dma_wait3A_149 : memref<1999872xf32, #tpu.memory_space<hbm>>) dst(%dma_wait3A_145 : memref<128xf32, #tpu.memory_space<vmem>>)
    %dma_wait3A_150 = arith.constant 0 : i32
    %dma_wait3A_151 = tpu.memref_slice %arg17[%dma_wait3A_150] : memref<512xf32, #tpu.memory_space<vmem>> -> memref<128xf32, #tpu.memory_space<vmem>>
    %dma_wait3A_152 = arith.constant 0 : i32
    %dma_wait3A_153 = tpu.memref_slice %arg13[%dma_wait3A_152] : memref<512xi32, #tpu.memory_space<vmem>> -> memref<128xi32, #tpu.memory_space<vmem>>
    %dma_wait3A_154 = arith.constant 0 : i32
    %dma_wait3A_155 = tpu.memref_slice %arg5[%dma_wait3A_154] : memref<1999872xf32, #tpu.memory_space<hbm>> -> memref<1999872xf32, #tpu.memory_space<hbm>>
    tpu.wait_indirect_dma semaphore(%arg20 : memref<!tpu.dma_semaphore, #tpu.memory_space<semaphore_mem>>) src(%dma_wait3A_155 : memref<1999872xf32, #tpu.memory_space<hbm>>) dst(%dma_wait3A_151 : memref<128xf32, #tpu.memory_space<vmem>>)
    %dma_wait3A_156 = arith.constant 128 : i32
    %dma_wait3A_157 = tpu.memref_slice %arg14[%dma_wait3A_156] : memref<512xf32, #tpu.memory_space<vmem>> -> memref<128xf32, #tpu.memory_space<vmem>>
    %dma_wait3A_158 = arith.constant 128 : i32
    %dma_wait3A_159 = tpu.memref_slice %arg10[%dma_wait3A_158] : memref<512xi32, #tpu.memory_space<vmem>> -> memref<128xi32, #tpu.memory_space<vmem>>
    %dma_wait3A_160 = arith.constant 0 : i32
    %dma_wait3A_161 = tpu.memref_slice %arg4[%dma_wait3A_160] : memref<1999872xf32, #tpu.memory_space<hbm>> -> memref<1999872xf32, #tpu.memory_space<hbm>>
    tpu.wait_indirect_dma semaphore(%arg20 : memref<!tpu.dma_semaphore, #tpu.memory_space<semaphore_mem>>) src(%dma_wait3A_161 : memref<1999872xf32, #tpu.memory_space<hbm>>) dst(%dma_wait3A_157 : memref<128xf32, #tpu.memory_space<vmem>>)
    %dma_wait3A_162 = arith.constant 128 : i32
    %dma_wait3A_163 = tpu.memref_slice %arg15[%dma_wait3A_162] : memref<512xf32, #tpu.memory_space<vmem>> -> memref<128xf32, #tpu.memory_space<vmem>>
    %dma_wait3A_164 = arith.constant 128 : i32
    %dma_wait3A_165 = tpu.memref_slice %arg11[%dma_wait3A_164] : memref<512xi32, #tpu.memory_space<vmem>> -> memref<128xi32, #tpu.memory_space<vmem>>
    %dma_wait3A_166 = arith.constant 0 : i32
    %dma_wait3A_167 = tpu.memref_slice %arg4[%dma_wait3A_166] : memref<1999872xf32, #tpu.memory_space<hbm>> -> memref<1999872xf32, #tpu.memory_space<hbm>>
    tpu.wait_indirect_dma semaphore(%arg20 : memref<!tpu.dma_semaphore, #tpu.memory_space<semaphore_mem>>) src(%dma_wait3A_167 : memref<1999872xf32, #tpu.memory_space<hbm>>) dst(%dma_wait3A_163 : memref<128xf32, #tpu.memory_space<vmem>>)
    %dma_wait3A_168 = arith.constant 128 : i32
    %dma_wait3A_169 = tpu.memref_slice %arg16[%dma_wait3A_168] : memref<512xf32, #tpu.memory_space<vmem>> -> memref<128xf32, #tpu.memory_space<vmem>>
    %dma_wait3A_170 = arith.constant 128 : i32
    %dma_wait3A_171 = tpu.memref_slice %arg12[%dma_wait3A_170] : memref<512xi32, #tpu.memory_space<vmem>> -> memref<128xi32, #tpu.memory_space<vmem>>
    %dma_wait3A_172 = arith.constant 0 : i32
    %dma_wait3A_173 = tpu.memref_slice %arg5[%dma_wait3A_172] : memref<1999872xf32, #tpu.memory_space<hbm>> -> memref<1999872xf32, #tpu.memory_space<hbm>>
    tpu.wait_indirect_dma semaphore(%arg20 : memref<!tpu.dma_semaphore, #tpu.memory_space<semaphore_mem>>) src(%dma_wait3A_173 : memref<1999872xf32, #tpu.memory_space<hbm>>) dst(%dma_wait3A_169 : memref<128xf32, #tpu.memory_space<vmem>>)
    %dma_wait3A_174 = arith.constant 128 : i32
    %dma_wait3A_175 = tpu.memref_slice %arg17[%dma_wait3A_174] : memref<512xf32, #tpu.memory_space<vmem>> -> memref<128xf32, #tpu.memory_space<vmem>>
    %dma_wait3A_176 = arith.constant 128 : i32
    %dma_wait3A_177 = tpu.memref_slice %arg13[%dma_wait3A_176] : memref<512xi32, #tpu.memory_space<vmem>> -> memref<128xi32, #tpu.memory_space<vmem>>
    %dma_wait3A_178 = arith.constant 0 : i32
    %dma_wait3A_179 = tpu.memref_slice %arg5[%dma_wait3A_178] : memref<1999872xf32, #tpu.memory_space<hbm>> -> memref<1999872xf32, #tpu.memory_space<hbm>>
    tpu.wait_indirect_dma semaphore(%arg20 : memref<!tpu.dma_semaphore, #tpu.memory_space<semaphore_mem>>) src(%dma_wait3A_179 : memref<1999872xf32, #tpu.memory_space<hbm>>) dst(%dma_wait3A_175 : memref<128xf32, #tpu.memory_space<vmem>>)
    %dma_wait3A_180 = arith.constant 256 : i32
    %dma_wait3A_181 = tpu.memref_slice %arg14[%dma_wait3A_180] : memref<512xf32, #tpu.memory_space<vmem>> -> memref<128xf32, #tpu.memory_space<vmem>>
    %dma_wait3A_182 = arith.constant 256 : i32
    %dma_wait3A_183 = tpu.memref_slice %arg10[%dma_wait3A_182] : memref<512xi32, #tpu.memory_space<vmem>> -> memref<128xi32, #tpu.memory_space<vmem>>
    %dma_wait3A_184 = arith.constant 0 : i32
    %dma_wait3A_185 = tpu.memref_slice %arg4[%dma_wait3A_184] : memref<1999872xf32, #tpu.memory_space<hbm>> -> memref<1999872xf32, #tpu.memory_space<hbm>>
    tpu.wait_indirect_dma semaphore(%arg20 : memref<!tpu.dma_semaphore, #tpu.memory_space<semaphore_mem>>) src(%dma_wait3A_185 : memref<1999872xf32, #tpu.memory_space<hbm>>) dst(%dma_wait3A_181 : memref<128xf32, #tpu.memory_space<vmem>>)
    %dma_wait3A_186 = arith.constant 256 : i32
    %dma_wait3A_187 = tpu.memref_slice %arg15[%dma_wait3A_186] : memref<512xf32, #tpu.memory_space<vmem>> -> memref<128xf32, #tpu.memory_space<vmem>>
    %dma_wait3A_188 = arith.constant 256 : i32
    %dma_wait3A_189 = tpu.memref_slice %arg11[%dma_wait3A_188] : memref<512xi32, #tpu.memory_space<vmem>> -> memref<128xi32, #tpu.memory_space<vmem>>
    %dma_wait3A_190 = arith.constant 0 : i32
    %dma_wait3A_191 = tpu.memref_slice %arg4[%dma_wait3A_190] : memref<1999872xf32, #tpu.memory_space<hbm>> -> memref<1999872xf32, #tpu.memory_space<hbm>>
    tpu.wait_indirect_dma semaphore(%arg20 : memref<!tpu.dma_semaphore, #tpu.memory_space<semaphore_mem>>) src(%dma_wait3A_191 : memref<1999872xf32, #tpu.memory_space<hbm>>) dst(%dma_wait3A_187 : memref<128xf32, #tpu.memory_space<vmem>>)
    %dma_wait3A_192 = arith.constant 256 : i32
    %dma_wait3A_193 = tpu.memref_slice %arg16[%dma_wait3A_192] : memref<512xf32, #tpu.memory_space<vmem>> -> memref<128xf32, #tpu.memory_space<vmem>>
    %dma_wait3A_194 = arith.constant 256 : i32
    %dma_wait3A_195 = tpu.memref_slice %arg12[%dma_wait3A_194] : memref<512xi32, #tpu.memory_space<vmem>> -> memref<128xi32, #tpu.memory_space<vmem>>
    %dma_wait3A_196 = arith.constant 0 : i32
    %dma_wait3A_197 = tpu.memref_slice %arg5[%dma_wait3A_196] : memref<1999872xf32, #tpu.memory_space<hbm>> -> memref<1999872xf32, #tpu.memory_space<hbm>>
    tpu.wait_indirect_dma semaphore(%arg20 : memref<!tpu.dma_semaphore, #tpu.memory_space<semaphore_mem>>) src(%dma_wait3A_197 : memref<1999872xf32, #tpu.memory_space<hbm>>) dst(%dma_wait3A_193 : memref<128xf32, #tpu.memory_space<vmem>>)
    %dma_wait3A_198 = arith.constant 256 : i32
    %dma_wait3A_199 = tpu.memref_slice %arg17[%dma_wait3A_198] : memref<512xf32, #tpu.memory_space<vmem>> -> memref<128xf32, #tpu.memory_space<vmem>>
    %dma_wait3A_200 = arith.constant 256 : i32
    %dma_wait3A_201 = tpu.memref_slice %arg13[%dma_wait3A_200] : memref<512xi32, #tpu.memory_space<vmem>> -> memref<128xi32, #tpu.memory_space<vmem>>
    %dma_wait3A_202 = arith.constant 0 : i32
    %dma_wait3A_203 = tpu.memref_slice %arg5[%dma_wait3A_202] : memref<1999872xf32, #tpu.memory_space<hbm>> -> memref<1999872xf32, #tpu.memory_space<hbm>>
    tpu.wait_indirect_dma semaphore(%arg20 : memref<!tpu.dma_semaphore, #tpu.memory_space<semaphore_mem>>) src(%dma_wait3A_203 : memref<1999872xf32, #tpu.memory_space<hbm>>) dst(%dma_wait3A_199 : memref<128xf32, #tpu.memory_space<vmem>>)
    %dma_wait3A_204 = arith.constant 384 : i32
    %dma_wait3A_205 = tpu.memref_slice %arg14[%dma_wait3A_204] : memref<512xf32, #tpu.memory_space<vmem>> -> memref<128xf32, #tpu.memory_space<vmem>>
    %dma_wait3A_206 = arith.constant 384 : i32
    %dma_wait3A_207 = tpu.memref_slice %arg10[%dma_wait3A_206] : memref<512xi32, #tpu.memory_space<vmem>> -> memref<128xi32, #tpu.memory_space<vmem>>
    %dma_wait3A_208 = arith.constant 0 : i32
    %dma_wait3A_209 = tpu.memref_slice %arg4[%dma_wait3A_208] : memref<1999872xf32, #tpu.memory_space<hbm>> -> memref<1999872xf32, #tpu.memory_space<hbm>>
    tpu.wait_indirect_dma semaphore(%arg20 : memref<!tpu.dma_semaphore, #tpu.memory_space<semaphore_mem>>) src(%dma_wait3A_209 : memref<1999872xf32, #tpu.memory_space<hbm>>) dst(%dma_wait3A_205 : memref<128xf32, #tpu.memory_space<vmem>>)
    %dma_wait3A_210 = arith.constant 384 : i32
    %dma_wait3A_211 = tpu.memref_slice %arg15[%dma_wait3A_210] : memref<512xf32, #tpu.memory_space<vmem>> -> memref<128xf32, #tpu.memory_space<vmem>>
    %dma_wait3A_212 = arith.constant 384 : i32
    %dma_wait3A_213 = tpu.memref_slice %arg11[%dma_wait3A_212] : memref<512xi32, #tpu.memory_space<vmem>> -> memref<128xi32, #tpu.memory_space<vmem>>
    %dma_wait3A_214 = arith.constant 0 : i32
    %dma_wait3A_215 = tpu.memref_slice %arg4[%dma_wait3A_214] : memref<1999872xf32, #tpu.memory_space<hbm>> -> memref<1999872xf32, #tpu.memory_space<hbm>>
    tpu.wait_indirect_dma semaphore(%arg20 : memref<!tpu.dma_semaphore, #tpu.memory_space<semaphore_mem>>) src(%dma_wait3A_215 : memref<1999872xf32, #tpu.memory_space<hbm>>) dst(%dma_wait3A_211 : memref<128xf32, #tpu.memory_space<vmem>>)
    %dma_wait3A_216 = arith.constant 384 : i32
    %dma_wait3A_217 = tpu.memref_slice %arg16[%dma_wait3A_216] : memref<512xf32, #tpu.memory_space<vmem>> -> memref<128xf32, #tpu.memory_space<vmem>>
    %dma_wait3A_218 = arith.constant 384 : i32
    %dma_wait3A_219 = tpu.memref_slice %arg12[%dma_wait3A_218] : memref<512xi32, #tpu.memory_space<vmem>> -> memref<128xi32, #tpu.memory_space<vmem>>
    %dma_wait3A_220 = arith.constant 0 : i32
    %dma_wait3A_221 = tpu.memref_slice %arg5[%dma_wait3A_220] : memref<1999872xf32, #tpu.memory_space<hbm>> -> memref<1999872xf32, #tpu.memory_space<hbm>>
    tpu.wait_indirect_dma semaphore(%arg20 : memref<!tpu.dma_semaphore, #tpu.memory_space<semaphore_mem>>) src(%dma_wait3A_221 : memref<1999872xf32, #tpu.memory_space<hbm>>) dst(%dma_wait3A_217 : memref<128xf32, #tpu.memory_space<vmem>>)
    %dma_wait3A_222 = arith.constant 384 : i32
    %dma_wait3A_223 = tpu.memref_slice %arg17[%dma_wait3A_222] : memref<512xf32, #tpu.memory_space<vmem>> -> memref<128xf32, #tpu.memory_space<vmem>>
    %dma_wait3A_224 = arith.constant 384 : i32
    %dma_wait3A_225 = tpu.memref_slice %arg13[%dma_wait3A_224] : memref<512xi32, #tpu.memory_space<vmem>> -> memref<128xi32, #tpu.memory_space<vmem>>
    %dma_wait3A_226 = arith.constant 0 : i32
    %dma_wait3A_227 = tpu.memref_slice %arg5[%dma_wait3A_226] : memref<1999872xf32, #tpu.memory_space<hbm>> -> memref<1999872xf32, #tpu.memory_space<hbm>>
    tpu.wait_indirect_dma semaphore(%arg20 : memref<!tpu.dma_semaphore, #tpu.memory_space<semaphore_mem>>) src(%dma_wait3A_227 : memref<1999872xf32, #tpu.memory_space<hbm>>) dst(%dma_wait3A_223 : memref<128xf32, #tpu.memory_space<vmem>>)
    %get3A = arith.constant 0 : index
    %get3A_228 = tpu.vector_load %arg18[%get3A] {strides = array<i32>} : memref<272xf32, #tpu.memory_space<vmem>>, vector<16xf32>,
    %slice3A = vector.extract_strided_slice %get3A_228 {offsets = [0], sizes = [1], strides = [1]} : vector<16xf32> to vector<1xf32>
    %squeeze3A = vector.extract %slice3A[0] : f32 from vector<1xf32>
    %slice3A_229 = vector.extract_strided_slice %get3A_228 {offsets = [1], sizes = [1], strides = [1]} : vector<16xf32> to vector<1xf32>
    %squeeze3A_230 = vector.extract %slice3A_229[0] : f32 from vector<1xf32>
    %slice3A_231 = vector.extract_strided_slice %get3A_228 {offsets = [2], sizes = [1], strides = [1]} : vector<16xf32> to vector<1xf32>
    %squeeze3A_232 = vector.extract %slice3A_231[0] : f32 from vector<1xf32>
    %scan3A_233 = arith.constant 0 : i32
    %scan3A_234 = arith.constant 0 : i32
    %scan3A_235 = arith.constant 32 : i32
    %scan3A_236 = arith.addi %scan3A_234, %scan3A_235 : i32
    %scan3A_237 = arith.constant 2 : i32
    %scan3A_238 = scf.for %scan3A_240 = %scan3A_234 to %scan3A_236 step %scan3A_237 iter_args(%scan3A_241 = %scan3A_233) -> (i32)  : i32 {
      %mul3A_242 = arith.constant 16 : i32
      %mul3A_243 = arith.muli %scan3A_240, %mul3A_242 : i32
      %get3A_244 = arith.index_cast %mul3A_243 : i32 to index
      %get3A_245 = tpu.vector_load %arg8[%get3A_244] {strides = array<i32>} : memref<512xi32, #tpu.memory_space<vmem>>, vector<16xi32>,
      %get3A_246 = arith.index_cast %mul3A_243 : i32 to index
      %get3A_247 = tpu.vector_load %arg9[%get3A_246] {strides = array<i32>} : memref<512xi32, #tpu.memory_space<vmem>>, vector<16xi32>,
      %lt3A = arith.constant 999936 : i32
      %lt3A_248 = vector.broadcast %lt3A : i32 to vector<16xi32>
      %lt3A_249 = arith.cmpi slt, %get3A_245, %lt3A_248 : vector<16xi32>
      %lt3A_250 = arith.constant 999936 : i32
      %lt3A_251 = vector.broadcast %lt3A_250 : i32 to vector<16xi32>
      %lt3A_252 = arith.cmpi slt, %get3A_247, %lt3A_251 : vector<16xi32>
      %jit3A = arith.constant 999936 : i32
      %broadcast_in_dim3A = vector.broadcast %jit3A : i32 to vector<16xi32>
      %select_n3A = arith.select %lt3A_249, %broadcast_in_dim3A, %get3A_245 : vector<16xi1>, vector<16xi32>
      %sub3A = arith.constant 999936 : i32
      %sub3A_253 = vector.broadcast %sub3A : i32 to vector<16xi32>
      %sub3A_254 = arith.subi %select_n3A, %sub3A_253 : vector<16xi32>
      %jit3A_255 = arith.constant 999936 : i32
      %broadcast_in_dim3A_256 = vector.broadcast %jit3A_255 : i32 to vector<16xi32>
      %select_n3A_257 = arith.select %lt3A_252, %broadcast_in_dim3A_256, %get3A_247 : vector<16xi1>, vector<16xi32>
      %sub3A_258 = arith.constant 999936 : i32
      %sub3A_259 = vector.broadcast %sub3A_258 : i32 to vector<16xi32>
      %sub3A_260 = arith.subi %select_n3A_257, %sub3A_259 : vector<16xi32>
      %add3A_261 = arith.constant 16 : i32
      %add3A_262 = vector.broadcast %add3A_261 : i32 to vector<16xi32>
      %add3A_263 = arith.addi %sub3A_254, %add3A_262 : vector<16xi32>
      %gather3A = tpu.vector_load_idx %arg18[%add3A_263] : memref<272xf32, #tpu.memory_space<vmem>>[vector<16xi32>], vector<16xf32>,
      %add3A_264 = arith.constant 80 : i32
      %add3A_265 = vector.broadcast %add3A_264 : i32 to vector<16xi32>
      %add3A_266 = arith.addi %sub3A_254, %add3A_265 : vector<16xi32>
      %gather3A_267 = tpu.vector_load_idx %arg18[%add3A_266] : memref<272xf32, #tpu.memory_space<vmem>>[vector<16xi32>], vector<16xf32>,
      %add3A_268 = arith.constant 144 : i32
      %add3A_269 = vector.broadcast %add3A_268 : i32 to vector<16xi32>
      %add3A_270 = arith.addi %sub3A_260, %add3A_269 : vector<16xi32>
      %gather3A_271 = tpu.vector_load_idx %arg18[%add3A_270] : memref<272xf32, #tpu.memory_space<vmem>>[vector<16xi32>], vector<16xf32>,
      %add3A_272 = arith.constant 208 : i32
      %add3A_273 = vector.broadcast %add3A_272 : i32 to vector<16xi32>
      %add3A_274 = arith.addi %sub3A_260, %add3A_273 : vector<16xi32>
      %gather3A_275 = tpu.vector_load_idx %arg18[%add3A_274] : memref<272xf32, #tpu.memory_space<vmem>>[vector<16xi32>], vector<16xf32>,
      %get3A_276 = arith.index_cast %mul3A_243 : i32 to index
      %get3A_277 = tpu.vector_load %arg14[%get3A_276] {strides = array<i32>} : memref<512xf32, #tpu.memory_space<vmem>>, vector<16xf32>,
      %select_n3A_278 = arith.select %lt3A_249, %get3A_277, %gather3A : vector<16xi1>, vector<16xf32>
      %get3A_279 = arith.index_cast %mul3A_243 : i32 to index
      %get3A_280 = tpu.vector_load %arg15[%get3A_279] {strides = array<i32>} : memref<512xf32, #tpu.memory_space<vmem>>, vector<16xf32>,
      %select_n3A_281 = arith.select %lt3A_249, %get3A_280, %gather3A_267 : vector<16xi1>, vector<16xf32>
      %get3A_282 = arith.index_cast %mul3A_243 : i32 to index
      %get3A_283 = tpu.vector_load %arg16[%get3A_282] {strides = array<i32>} : memref<512xf32, #tpu.memory_space<vmem>>, vector<16xf32>,
      %select_n3A_284 = arith.select %lt3A_252, %get3A_283, %gather3A_271 : vector<16xi1>, vector<16xf32>
      %get3A_285 = arith.index_cast %mul3A_243 : i32 to index
      %get3A_286 = tpu.vector_load %arg17[%get3A_285] {strides = array<i32>} : memref<512xf32, #tpu.memory_space<vmem>>, vector<16xf32>,
      %select_n3A_287 = arith.select %lt3A_252, %get3A_286, %gather3A_275 : vector<16xi1>, vector<16xf32>
      %add3A_288 = arith.addf %select_n3A_278, %select_n3A_284 : vector<16xf32>
      %mul3A_289 = vector.broadcast %squeeze3A : f32 to vector<16xf32>
      %mul3A_290 = arith.mulf %add3A_288, %mul3A_289 : vector<16xf32>
      %add3A_291 = arith.addf %select_n3A_281, %select_n3A_287 : vector<16xf32>
      %mul3A_292 = vector.broadcast %squeeze3A_230 : f32 to vector<16xf32>
      %mul3A_293 = arith.mulf %add3A_291, %mul3A_292 : vector<16xf32>
      %add3A_294 = arith.addf %mul3A_290, %mul3A_293 : vector<16xf32>
      %add3A_295 = vector.broadcast %squeeze3A_232 : f32 to vector<16xf32>
      %add3A_296 = arith.addf %add3A_294, %add3A_295 : vector<16xf32>
      %swap3A = arith.index_cast %mul3A_243 : i32 to index
      %swap3A_297 = tpu.vector_load %arg19[%swap3A] {strides = array<i32>} : memref<512xf32, #tpu.memory_space<vmem>>, vector<16xf32>,
      tpu.vector_store %arg19[%swap3A], %add3A_296 {strides = array<i32>} : memref<512xf32, #tpu.memory_space<vmem>>, vector<16xf32>,
      %scan3A_298 = arith.constant 0 : i32
      %scan3A_299 = arith.constant 1 : i32
      %scan3A_300 = arith.addi %scan3A_240, %scan3A_299 : i32
      %mul3A_301 = arith.constant 16 : i32
      %mul3A_302 = arith.muli %scan3A_300, %mul3A_301 : i32
      %get3A_303 = arith.index_cast %mul3A_302 : i32 to index
      %get3A_304 = tpu.vector_load %arg8[%get3A_303] {strides = array<i32>} : memref<512xi32, #tpu.memory_space<vmem>>, vector<16xi32>,
      %get3A_305 = arith.index_cast %mul3A_302 : i32 to index
      %get3A_306 = tpu.vector_load %arg9[%get3A_305] {strides = array<i32>} : memref<512xi32, #tpu.memory_space<vmem>>, vector<16xi32>,
      %lt3A_307 = arith.constant 999936 : i32
      %lt3A_308 = vector.broadcast %lt3A_307 : i32 to vector<16xi32>
      %lt3A_309 = arith.cmpi slt, %get3A_304, %lt3A_308 : vector<16xi32>
      %lt3A_310 = arith.constant 999936 : i32
      %lt3A_311 = vector.broadcast %lt3A_310 : i32 to vector<16xi32>
      %lt3A_312 = arith.cmpi slt, %get3A_306, %lt3A_311 : vector<16xi32>
      %jit3A_313 = arith.constant 999936 : i32
      %broadcast_in_dim3A_314 = vector.broadcast %jit3A_313 : i32 to vector<16xi32>
      %select_n3A_315 = arith.select %lt3A_309, %broadcast_in_dim3A_314, %get3A_304 : vector<16xi1>, vector<16xi32>
      %sub3A_316 = arith.constant 999936 : i32
      %sub3A_317 = vector.broadcast %sub3A_316 : i32 to vector<16xi32>
      %sub3A_318 = arith.subi %select_n3A_315, %sub3A_317 : vector<16xi32>
      %jit3A_319 = arith.constant 999936 : i32
      %broadcast_in_dim3A_320 = vector.broadcast %jit3A_319 : i32 to vector<16xi32>
      %select_n3A_321 = arith.select %lt3A_312, %broadcast_in_dim3A_320, %get3A_306 : vector<16xi1>, vector<16xi32>
      %sub3A_322 = arith.constant 999936 : i32
      %sub3A_323 = vector.broadcast %sub3A_322 : i32 to vector<16xi32>
      %sub3A_324 = arith.subi %select_n3A_321, %sub3A_323 : vector<16xi32>
      %add3A_325 = arith.constant 16 : i32
      %add3A_326 = vector.broadcast %add3A_325 : i32 to vector<16xi32>
      %add3A_327 = arith.addi %sub3A_318, %add3A_326 : vector<16xi32>
      %gather3A_328 = tpu.vector_load_idx %arg18[%add3A_327] : memref<272xf32, #tpu.memory_space<vmem>>[vector<16xi32>], vector<16xf32>,
      %add3A_329 = arith.constant 80 : i32
      %add3A_330 = vector.broadcast %add3A_329 : i32 to vector<16xi32>
      %add3A_331 = arith.addi %sub3A_318, %add3A_330 : vector<16xi32>
      %gather3A_332 = tpu.vector_load_idx %arg18[%add3A_331] : memref<272xf32, #tpu.memory_space<vmem>>[vector<16xi32>], vector<16xf32>,
      %add3A_333 = arith.constant 144 : i32
      %add3A_334 = vector.broadcast %add3A_333 : i32 to vector<16xi32>
      %add3A_335 = arith.addi %sub3A_324, %add3A_334 : vector<16xi32>
      %gather3A_336 = tpu.vector_load_idx %arg18[%add3A_335] : memref<272xf32, #tpu.memory_space<vmem>>[vector<16xi32>], vector<16xf32>,
      %add3A_337 = arith.constant 208 : i32
      %add3A_338 = vector.broadcast %add3A_337 : i32 to vector<16xi32>
      %add3A_339 = arith.addi %sub3A_324, %add3A_338 : vector<16xi32>
      %gather3A_340 = tpu.vector_load_idx %arg18[%add3A_339] : memref<272xf32, #tpu.memory_space<vmem>>[vector<16xi32>], vector<16xf32>,
      %get3A_341 = arith.index_cast %mul3A_302 : i32 to index
      %get3A_342 = tpu.vector_load %arg14[%get3A_341] {strides = array<i32>} : memref<512xf32, #tpu.memory_space<vmem>>, vector<16xf32>,
      %select_n3A_343 = arith.select %lt3A_309, %get3A_342, %gather3A_328 : vector<16xi1>, vector<16xf32>
      %get3A_344 = arith.index_cast %mul3A_302 : i32 to index
      %get3A_345 = tpu.vector_load %arg15[%get3A_344] {strides = array<i32>} : memref<512xf32, #tpu.memory_space<vmem>>, vector<16xf32>,
      %select_n3A_346 = arith.select %lt3A_309, %get3A_345, %gather3A_332 : vector<16xi1>, vector<16xf32>
      %get3A_347 = arith.index_cast %mul3A_302 : i32 to index
      %get3A_348 = tpu.vector_load %arg16[%get3A_347] {strides = array<i32>} : memref<512xf32, #tpu.memory_space<vmem>>, vector<16xf32>,
      %select_n3A_349 = arith.select %lt3A_312, %get3A_348, %gather3A_336 : vector<16xi1>, vector<16xf32>
      %get3A_350 = arith.index_cast %mul3A_302 : i32 to index
      %get3A_351 = tpu.vector_load %arg17[%get3A_350] {strides = array<i32>} : memref<512xf32, #tpu.memory_space<vmem>>, vector<16xf32>,
      %select_n3A_352 = arith.select %lt3A_312, %get3A_351, %gather3A_340 : vector<16xi1>, vector<16xf32>
      %add3A_353 = arith.addf %select_n3A_343, %select_n3A_349 : vector<16xf32>
      %mul3A_354 = vector.broadcast %squeeze3A : f32 to vector<16xf32>
      %mul3A_355 = arith.mulf %add3A_353, %mul3A_354 : vector<16xf32>
      %add3A_356 = arith.addf %select_n3A_346, %select_n3A_352 : vector<16xf32>
      %mul3A_357 = vector.broadcast %squeeze3A_230 : f32 to vector<16xf32>
      %mul3A_358 = arith.mulf %add3A_356, %mul3A_357 : vector<16xf32>
      %add3A_359 = arith.addf %mul3A_355, %mul3A_358 : vector<16xf32>
      %add3A_360 = vector.broadcast %squeeze3A_232 : f32 to vector<16xf32>
      %add3A_361 = arith.addf %add3A_359, %add3A_360 : vector<16xf32>
      %swap3A_362 = arith.index_cast %mul3A_302 : i32 to index
      %swap3A_363 = tpu.vector_load %arg19[%swap3A_362] {strides = array<i32>} : memref<512xf32, #tpu.memory_space<vmem>>, vector<16xf32>,
      tpu.vector_store %arg19[%swap3A_362], %add3A_361 {strides = array<i32>} : memref<512xf32, #tpu.memory_space<vmem>>, vector<16xf32>,
      %scan3A_364 = arith.constant 0 : i32
      scf.yield %scan3A_364 : i32
    }
    %scan3A_239 = arith.constant 32 : i32
    "tpu.region"() ({
      %run_scoped3A = tpu.sem_alloc : memref<!tpu.dma_semaphore, #tpu.memory_space<semaphore_mem>>
      %dma_start3A_240 = tpu.memref_slice %arg7[%mul3A_2] : memref<16384xf32, #tpu.memory_space<hbm>> -> memref<512xf32, #tpu.memory_space<hbm>>
      %dma_start3A_241 = tpu.memref_slice %arg7[%mul3A_2] : memref<16384xf32, #tpu.memory_space<hbm>> -> memref<512xf32, #tpu.memory_space<hbm>>
      tpu.enqueue_dma source(%arg19 : memref<512xf32, #tpu.memory_space<vmem>>) target(%dma_start3A_241 : memref<512xf32, #tpu.memory_space<hbm>>) target_semaphore(%run_scoped3A : memref<!tpu.dma_semaphore, #tpu.memory_space<semaphore_mem>>)
      %dma_wait3A_242 = tpu.memref_slice %arg7[%mul3A_2] : memref<16384xf32, #tpu.memory_space<hbm>> -> memref<512xf32, #tpu.memory_space<hbm>>
      %dma_wait3A_243 = tpu.memref_slice %arg7[%mul3A_2] : memref<16384xf32, #tpu.memory_space<hbm>> -> memref<512xf32, #tpu.memory_space<hbm>>
      tpu.wait_dma2 semaphore(%run_scoped3A : memref<!tpu.dma_semaphore, #tpu.memory_space<semaphore_mem>>) src(%arg19 : memref<512xf32, #tpu.memory_space<vmem>>) dst(%dma_wait3A_243 : memref<512xf32, #tpu.memory_space<hbm>>)
      tpu.yield
    }) : () -> ()
    return
  }
}

</mosaic_0001>

<sc_bundles>
// kernel: kernel.3.cloned.1.call-start
scs
__scs_entry_jumppad:
0x0: {  	(pc) =	sbr.rel $0x88, $3  }
0x1: {  	(tag) =	ssettag $0x0;
	lr =	simm.s32 $0x1  }
0x2: {  	[smem:$0x3F9B] =	sst lr;
	_ =	strace $0xD0000000  }
0x3: {  	_ = 	snop  }
0x4: {  	_ = 	snop  }
0x5: {  	_ = 	snop  }
0x6: {  	_ = 	snop  }
0x7: {  	_ = 	snop  }
__scs_overlays_trampoline_lowered:
0x8: {  	[smem:$0x3FAA] =	sst s0  }
0x9: {  	[smem:$0x3FAB] =	sst s1  }
0xa: {  	[smem:$0x3FAC] =	sst s2  }
0xb: {  	[smem:$0x3FAD] =	sst s3  }
0xc: {  	[smem:$0x3FAE] =	sst s4  }
0xd: {  	[smem:$0x3FAF] =	sst s5  }
0xe: {  	[smem:$0x3FB0] =	sst s6  }
0xf: {  	[smem:$0x3FB1] =	sst s7  }
0x10: {  	[smem:$0x3FB2] =	sst s8  }
0x11: {  	[smem:$0x3FB3] =	sst s9;
	s0 =	simm.s32 @!p0 $0x0  }
0x12: {  	s1 =	sld [smem:$0x3F99];
	s0 =	simm.s32 @p0 $0x1  }
0x13: {  	[smem:$0x3FB4] =	sst s0;
	s0 =	simm.s32 @!p1 $0x0  }
0x14: {  	s2 =	sld [smem:$0x3F98];
	s0 =	simm.s32 @p1 $0x1  }
0x15: {  	[smem:$0x3FB5] =	sst s0;
	s0 =	simm.s32 @!p2 $0x0  }
0x16: {  	s3 =	sld [smem:$0x3FDB];
	s0 =	simm.s32 @p2 $0x1  }
0x17: {  	s4 =	simm.s32 $0x1BF5;
	[smem:$0x3FB7] =	sst s0  }
0x18: {  	s0 =	sld [smem:$0x3F9A];
	_ =	swait.ge [sflag:s4], $0x0  }
0x19: {  	s7 =	sld [smem:$0x3F9B]  }
0x1a: {  	s8 =	sadd.s32 $0xFFFFE003, lr  }
0x1b: {  	s9 =	sadd.s32 $0xFFFFFEF7, lr;
	s5 =	simm.s32 $0xFFFFFFFF;
	p2 =	slt.u32 s8, $0xFFFFF086  }
0x1c: {  	p1 =	slt.u32 s9, $0xF7A;
	s5 =	simm.s32 @!p2 $0x0  }
0x1d: {  	s5 =	simm.s32 @p1 $0x1;
	p0 =	seq.s32 s7, s2  }
0x1e: {  	s7 =	smul.u32 @!p0 $0xF7A, s2;
	p2 =	seq.s32 @!p0 s5, $0x0  }
0x1f: {  	s9 =	smul.u32 $0xF7A, s1;
	s8 =	simm.s32 @!p0 $0x1BF5;
	p2 =	por !p2, p0  }
0x20: {  	[sflag:s8] =	ssyncset.s32 @!p0 $0xFFFFF086;
	s6 =	sadd.s32 @!p0 s3, s7;
	s7 =	simm.s32 @!p0 $0x108  }
0x21: {  	s3 =	sadd.s32 s3, s9;
	s6 =	sadd.s32 @!p0 $0x88, s6;
	s7 =	simm.s32 @p2 $0x1082  }
0x22: {  	[simem:s7], [sflag:s8] =	dma.local @!p0 [hbm:s6], $0xF7A  }
0x23: {  	s9 =	sor.u32 $0xD0000000, s2;
	s6 =	simm.s32 $0x108;
	_ =	swait.ge @!p0 [sflag:s8], $0x0  }
0x24: {  	s3 =	sadd.s32 $0x88, s3;
	s6 =	simm.s32 @!p1 $0x1082;
	[sflag:s4] =	ssyncset.s32 $0xFFFFF086  }
0x25: {  	[simem:s6], [sflag:s4] =	dma.local [hbm:s3], $0xF7A  }
0x26: {  	[smem:$0x3F9B] =	sst s1;
	(tag) =	ssettag s2;
	_ =	strace s9  }
0x27: {  	s1 =	sld [smem:$0x3FAB]  }
0x28: {  	s2 =	sld [smem:$0x3FAC]  }
0x29: {  	s4 =	sld [smem:$0x3FAE]  }
0x2a: {  	p0 =	seq.s32 s5, $0x0;
	s5 =	sld [smem:$0x3FAF]  }
0x2b: {  	s6 =	sld [smem:$0x3FB0]  }
0x2c: {  	s7 =	sld [smem:$0x3FB1]  }
0x2d: {  	s3 =	simm.s32 $0x108;
	s8 =	sld [smem:$0x3FB2]  }
0x2e: {  	s3 =	simm.s32 @!p0 $0x1082;
	s9 =	sld [smem:$0x3FB3]  }
0x2f: {  	lr =	sadd.s32 s0, s3;
	s0 =	sld [smem:$0x3FAA]  }
0x30: {  	s3 =	sld [smem:$0x3FAD]  }
0x31: {  	[smem:$0x3FB6] =	sst s10  }
0x32: {  	s10 =	sld [smem:$0x3FB4];
	_ =	sdelay $0x3  }
0x33: {  	p0 =	seq.s32 s10, $0x1;
	s10 =	sld [smem:$0x3FB6];
	_ =	sdelay $0x3  }
0x34: {  	[smem:$0x3FB6] =	sst s10  }
0x35: {  	s10 =	sld [smem:$0x3FB5];
	_ =	sdelay $0x3  }
0x36: {  	p1 =	seq.s32 s10, $0x1;
	s10 =	sld [smem:$0x3FB6];
	_ =	sdelay $0x3  }
0x37: {  	[smem:$0x3FB6] =	sst s10  }
0x38: {  	s10 =	sld [smem:$0x3FB7]  }
0x39: {  	_ = 	snop;
	(pc) =	sbr.ind lr, $3  }
0x3a: {  	_ = 	snop  }
0x3b: {  	_ = 	snop  }
0x3c: {  	p2 =	seq.s32 s10, $0x1;
	s10 =	sld [smem:$0x3FB6]  }
0x3d: {  	_ =	shalt  }
0x3e: {  	_ =	shalt  }
0x3f: {  	_ =	shalt  }
0x40: {  	_ =	shalt  }
0x41: {  	_ =	shalt  }
0x42: {  	_ =	shalt  }
0x43: {  	_ =	shalt  }
0x44: {  	_ =	shalt  }
0x45: {  	_ =	shalt  }
0x46: {  	_ =	shalt  }
0x47: {  	_ =	shalt  }
0x48: {  	_ =	shalt  }
0x49: {  	_ =	shalt  }
0x4a: {  	_ =	shalt  }
0x4b: {  	_ =	shalt  }
0x4c: {  	_ =	shalt  }
0x4d: {  	_ =	shalt  }
0x4e: {  	_ =	shalt  }
0x4f: {  	_ =	shalt  }
0x50: {  	_ =	shalt  }
0x51: {  	_ =	shalt  }
0x52: {  	_ =	shalt  }
0x53: {  	_ =	shalt  }
0x54: {  	_ =	shalt  }
0x55: {  	_ =	shalt  }
0x56: {  	_ =	shalt  }
0x57: {  	_ =	shalt  }
0x58: {  	_ =	shalt  }
0x59: {  	_ =	shalt  }
0x5a: {  	_ =	shalt  }
0x5b: {  	_ =	shalt  }
0x5c: {  	_ =	shalt  }
0x5d: {  	_ =	shalt  }
0x5e: {  	_ =	shalt  }
0x5f: {  	_ =	shalt  }
0x60: {  	_ =	shalt  }
0x61: {  	_ =	shalt  }
0x62: {  	_ =	shalt  }
0x63: {  	_ =	shalt  }
0x64: {  	_ =	shalt  }
0x65: {  	_ =	shalt  }
0x66: {  	_ =	shalt  }
0x67: {  	_ =	shalt  }
0x68: {  	_ =	shalt  }
0x69: {  	_ =	shalt  }
0x6a: {  	_ =	shalt  }
0x6b: {  	_ =	shalt  }
0x6c: {  	_ =	shalt  }
0x6d: {  	_ =	shalt  }
0x6e: {  	_ =	shalt  }
0x6f: {  	_ =	shalt  }
0x70: {  	_ =	shalt  }
0x71: {  	_ =	shalt  }
0x72: {  	_ =	shalt  }
0x73: {  	_ =	shalt  }
0x74: {  	_ =	shalt  }
0x75: {  	_ =	shalt  }
0x76: {  	_ =	shalt  }
0x77: {  	_ =	shalt  }
0x78: {  	_ =	shalt  }
0x79: {  	_ =	shalt  }
0x7a: {  	_ =	shalt  }
0x7b: {  	_ =	shalt  }
0x7c: {  	_ =	shalt  }
0x7d: {  	_ =	shalt  }
0x7e: {  	_ =	shalt  }
0x7f: {  	_ =	shalt  }
0x80: {  	_ =	shalt  }
0x81: {  	_ =	shalt  }
0x82: {  	_ =	shalt  }
0x83: {  	_ =	shalt  }
0x84: {  	_ =	shalt  }
0x85: {  	_ =	shalt  }
0x86: {  	_ =	shalt  }
0x87: {  	_ =	shalt  }
.Lfunc_end0:
.L_simem_size_0:
called_computation_lowered:
.L_overlay_start_0:
0x88: {  	s2 =	sld [smem:$0x3FD9]  }
0x89: {  	s3 =	sld [smem:$0x3FFE];
	_ =	sdelay $0x1  }
0x8a: {  	s1 =	srdreg.scid  }
0x8b: {  	s0 =	sand.u32 $0x1, s1  }
0x8c: {  	s17 =	sshll.u32 s0, $0xA;
	s2 =	sadd.s32 s3, s2  }
0x8d: {  	s2 =	sadd.s32 s2, s17  }
0x8e: {  	[smem:$0x3FC2] =	sst s2  }
0x8f: {  	_ = 	snop  }
0x90: {  	s2 =	sld [smem:$0x3FC9]  }
0x91: {  	s18 =	sld [smem:$0x3FC8]  }
0x92: {  	s4 =	sld [smem:$0x3FD0];
	(tm) =	ssettm $0x1  }
0x93: {  	s5 =	sld [smem:$0x3FFB];
	_ =	sdelay $0x3  }
0x94: {  	_ =	strace s5  }
0x95: {  	s5 =	sld [smem:$0x3FFC];
	_ =	sdelay $0x3  }
0x96: {  	_ =	strace s5  }
0x97: {  	s5 =	sld [smem:$0x3FFD];
	_ =	sdelay $0x3  }
0x98: {  	_ =	strace s5  }
0x99: {  	_ =	strace $0x8FFFFFFF  }
0x9a: {  	s19 =	sld [smem:$0x3FDB];
	_ =	sdelay $0x1  }
0x9b: {  	s6 =	simm.s32 $_scs_section_size  }
0x9c: {  	s7 =	simm.s32 $_size__tile_overlayer_lowered;
	s8 =	simm.s32 $_tile_overlayer_lowered  }
0x9d: {  	s22 =	simm.s32 $0x1BFF;
	s21 =	sshll.u32 s8, $0x1;
	s5 =	sadd.s32 s6, s19  }
0x9e: {  	s9 =	simm.s32 $0x0;
	s20 =	sshll.u32 s7, $0x1;
	s7 =	sadd.s32 s21, s5  }
0x9f: {  	[timem:s9], [sflag:s22] =	dma.local [hbm:s7], s20  }
0xa0: {  	_ =	swait.ge [sflag:s22], s20  }
0xa1: {  	s6 =	ssub.s32 $0x0, s20;
	[sflag:s22] =	ssyncset.done $0x0  }
0xa2: {  	[sflag:s22] =	ssyncadd.s32 s6;
	_ =	sdelay $0x1  }
0xa3: {  	s23 =	simm.s32 $0x1B8B  }
0xa4: {  	_ =	swait.ge [sflag:s23], $0x1  }
0xa5: {  	[sflag:s23] =	ssyncset.done $0x0  }
0xa6: {  	s25 =	simm.s32 $0x1B8E;
	s24 =	sld [smem:$0x3FFE];
	[sflag:s23] =	ssyncadd.s32 $0xFFFFFFFF  }
0xa7: {  	s26 =	simm.s32 $execute0_lowered;
	[smem:$0x3FD2] =	sst s25  }
0xa8: {  	s7 =	sshll.u32 s26, $0x1;
	_ =	strace $0x80000046;
	[dreg:$0x1] =	wrdreg $0xFFFFFFFF  }
0xa9: {  	s28 =	simm.s32 $_size_execute0_lowered;
	s5 =	sadd.s32 s5, s7;
	[dreg:$0x0] =	wrdreg $0x0  }
0xaa: {  	s7 =	sshll.u32 s28, $0x1;
	[dreg:$0x2] =	wrdreg s5  }
0xab: {  	[dreg:$0x3] =	wrdreg s7  }
0xac: {  	[dreg:$0x4] =	wrdreg $0xC0  }
0xad: {  	_ =	task [dreg:s9], $0x5FFFF  }
0xae: {  	[dreg:$0x1] =	wrdreg $0xFFFFFFFF  }
0xaf: {  	[dreg:$0x0] =	wrdreg $0x60  }
0xb0: {  	[dreg:$0x2] =	wrdreg s2  }
0xb1: {  	[dreg:$0x3] =	wrdreg s18  }
0xb2: {  	[dreg:$0x4] =	wrdreg s24  }
0xb3: {  	[dreg:$0x5] =	wrdreg s4  }
0xb4: {  	[dreg:$0x6] =	wrdreg $0x9  }
0xb5: {  	_ =	task.clear_ibuf [dreg:s9], $0x7FFFF;
	_ =	strace $0x90000046  }
0xb6: {  	s29 =	simm.s32 $0x9;
	_ =	strace $0x80000048  }
0xb7: {  	_ =	swait.ge [sflag:s29], $0x1  }
0xb8: {  	[sflag:s29] =	ssyncadd.s32 $0xFFFFFFFF  }
0xb9: {  	_ =	strace $0x90000048  }
0xba: {  	_ =	sfence  }
0xbb: {  	s30 =	sld [smem:$0x0];
	_ =	sdelay $0x2  }
0xbc: {  	s31 =	sshll.u32 s1, $0xD;
	s1 =	sshrl.u32 s1, $0x2  }
0xbd: {  	s3 =	sand.u32 $0x4000, s31;
	s1 =	sadd.s32 s1, s30  }
0xbe: {  	s0 =	sor.u32 s3, s0;
	s1 =	sshll.u32 s1, $0x11  }
0xbf: {  	s0 =	sor.u32 s1, s0  }
0xc0: {  	s0 =	sadd.s32 $0x8F2B, s0  }
0xc1: {  	[sflag:s0] =	ssyncadd.remote.s32 $0x1  }
0xc2: {  	_ =	sfence.sel $0xFFFF  }
0xc3: {  	[dreg:$0x0] =	wrdreg $0xFFFFFFFF;
	(pc) =	sbr.abs _section_cstart, $3  }
0xc4: {  	[dreg:$0x1] =	wrdreg $0xFFFFFFFF  }
0xc5: {  	_ =	task.clear_ibuf [dreg:s9], $0x2FFFF;
	_ =	strace $0x9FFFFFFF  }
0xc6: {  	(tm) =	ssettm $0x7FFFFFFF  }
0xc7: {  	_ =	shalt  }
tec
execute0_lowered:
.L_overlay_start_1:
0x0: {  	(tag) =	ssettag $0x1  }
0x1: {  	s0 =	rddreg [dreg:$0x0]  }
0x2: {  	s2 =	rddreg [dreg:$0x1]  }
0x3: {  	s5 =	rddreg [dreg:$0x2]  }
0x4: {  	s8 =	rddreg [dreg:$0x3];
	s1 =	simm.s32 $0x0  }
0x5: {  	s4 =	srdreg.scid;
	s7 =	stileid.u32;
	s11 =	simm.s32 $0x1400  }
0x6: {  	s12 =	simm.s32 $0x1;
	s13 =	simm.s32 $0x80;
	s17 =	simm.s32 $0x1300  }
0x7: {  	s18 =	simm.s32 $0x580;
	s19 =	simm.s32 $0xD80;
	s20 =	simm.s32 $0x780  }
0x8: {  	s21 =	simm.s32 $0xF80;
	s22 =	simm.s32 $0x980;
	s23 =	simm.s32 $0x1180  }
0x9: {  	s24 =	simm.s32 $0xB80;
	s25 =	simm.s32 $0x1380;
	s26 =	simm.s32 $0x1510  }
0xa: {  	s28 =	simm.s32 $0x2;
	s29 =	simm.s32 $0x0;
	[smem:$0x7FF] =	sst s1  }
0xb: {  	s3 =	sadd.s32 $0xE00, s5;
	s4 =	sand.u32 $0x1, s4;
	s7 =	sshll.u32 s7, $0x7  }
0xc: {  	_ =	strace $0x80000047;
	s6 =	ssub.s32 $0x2, s4;
	s9 =	sshll.u32 s4, $0x6  }
0xd: {  	s4 =	sadd.s32 $0x3E000, s5;
	s10 =	sshrl.u32 s6, $0x1;
	s9 =	sor.u32 s9, s7  }
0xe: {  	s5 =	sadd.s32 $0x7B200, s5;
	s10 =	ssub.s32 s6, s10;
	s6 =	sadd.s32 s0, s9  }
0xf: {  	s7 =	sadd.s32 s2, s9;
	s8 =	sadd.s32 s8, s9;
	s9 =	smax.u32 s10, $0x1  }
.LBB2_1:
0x10: {  	[tilespmem:s1], [sflag:$0x1] =	stream.linear.gather [hbm4b:s6+s1], $0x200, $0x38;
	[tilespmem:$0x1710] =	vst v63  }
0x11: {  	s0 =	simm.s32 $0x200  }
0x12: {  	[tilespmem:s0], [sflag:$0x1] =	stream.linear.gather [hbm4b:s7+s1], $0x200, $0x38;
	[tilespmem:$0x1710] =	vst v63  }
0x13: {  	_ = 	snop  }
0x14: {  	[tilespmem:s11], [sflag:$0x1] =	stream.linear.gather [hbm4b:s5+s1], $0x110, $0x38;
	[tilespmem:$0x1710] =	vst v63  }
0x15: {  	_ =	swait.ge [sflag:s12], $0x200  }
0x16: {  	[sflag:s12] =	ssyncset.done $0x0  }
0x17: {  	[sflag:s12] =	ssyncadd.s32 $0xFFFFFE00  }
0x18: {  	_ =	swait.ge [sflag:s12], $0x200  }
0x19: {  	[sflag:s12] =	ssyncset.done $0x0  }
0x1a: {  	[sflag:s12] =	ssyncadd.s32 $0xFFFFFE00  }
0x1b: {  	_ =	swait.ge [sflag:s12], $0x110  }
0x1c: {  	[sflag:s12] =	ssyncset.done $0x0  }
0x1d: {  	[sflag:s12] =	ssyncadd.s32 $0xFFFFFEF0  }
0x1e: {  	v0 =	vld [tilespmem:$0x0]  }
0x1f: {  	v1 =	vld [tilespmem:$0x200]  }
0x20: {  	v2 =	vld [tilespmem:$0x10]  }
0x21: {  	v3 =	vld [tilespmem:$0x210]  }
0x22: {  	v5 =	vld [tilespmem:$0x20]  }
0x23: {  	v62 =	vld [tilespmem:$0x220]  }
0x24: {  	v10 =	vld [tilespmem:$0x30]  }
0x25: {  	v63 =	vld [tilespmem:$0x230]  }
0x26: {  	v14 =	vld [tilespmem:$0x40]  }
0x27: {  	v16 =	vld [tilespmem:$0x240]  }
0x28: {  	v20 =	vld [tilespmem:$0x50];
	_ =	sdelay $0x1  }
0x29: {  	vm0 =	vlt.s32 v0, $0xF4200;
	vm13 =	vlt.s32 v1, $0xF4200;
	vm14 =	vlt.s32 v2, $0xF4200  }
0x2a: {  	vm15 =	vlt.s32 v3, $0xF4200;
	vm4 =	vlt.s32 v5, $0xF4200;
	vm5 =	vlt.s32 v62, $0xF4200  }
0x2b: {  	vm6 =	vlt.s32 v10, $0xF4200;
	vm7 =	vlt.s32 v63, $0xF4200;
	vm8 =	vlt.s32 v14, $0xF4200  }
0x2c: {  	vm9 =	vlt.s32 v16, $0xF4200;
	vm10 =	vlt.s32 v20, $0xF4200;
	v0 =	vnsel vm0, $0x0, v0  }
0x2d: {  	v1 =	vnsel vm13, $0x0, v1;
	v2 =	vnsel vm14, $0x0, v2;
	v3 =	vnsel vm15, $0x0, v3  }
0x2e: {  	v5 =	vnsel vm4, $0x0, v5;
	v15 =	vnsel vm6, $0x0, v10;
	v4 =	vshll.u32 v0, $0x1  }
0x2f: {  	v0 =	vand.u32 $0x7F, v0;
	v61 =	vshll.u32 v1, $0x1;
	v4 =	vand.u32 $0xFFFFFF00, v4  }
0x30: {  	v1 =	vand.u32 $0x7F, v1;
	v7 =	vshll.u32 v2, $0x1;
	v0 =	vor.u32 v0, v4  }
0x31: {  	v9 =	vshll.u32 v3, $0x1;
	v4 =	vand.u32 $0xFFFFFF00, v61;
	v6 =	vor.u32 $0x80, v0;
	[tilespmem:$0x400] =	vst v0  }
0x32: {  	v2 =	vand.u32 $0x7F, v2;
	v7 =	vand.u32 $0xFFFFFF00, v7;
	v1 =	vor.u32 v1, v4;
	[tilespmem:$0x600] =	vst v6  }
0x33: {  	v3 =	vand.u32 $0x7F, v3;
	v9 =	vand.u32 $0xFFFFFF00, v9;
	v0 =	vor.u32 v2, v7;
	[tilespmem:$0x800] =	vst v1  }
0x34: {  	v25 =	vnsel vm10, $0x0, v20;
	v12 =	vshll.u32 v5, $0x1;
	v2 =	vor.u32 v3, v9;
	[tilespmem:$0x410] =	vst v0  }
0x35: {  	v5 =	vand.u32 $0x7F, v5;
	v17 =	vshll.u32 v15, $0x1;
	v8 =	vor.u32 $0x80, v1;
	[tilespmem:$0x810] =	vst v2  }
0x36: {  	v18 =	vand.u32 $0xFFFFFF00, v17;
	v4 =	vnsel vm5, $0x0, v62;
	v3 =	vor.u32 $0x80, v0;
	[tilespmem:$0xA00] =	vst v8  }
0x37: {  	v24 =	vld [tilespmem:$0x60];
	v7 =	vand.u32 $0xFFFFFF00, v12;
	v1 =	vor.u32 $0x80, v2;
	v13 =	vshll.u32 v4, $0x1;
	[tilespmem:$0x610] =	vst v3  }
0x38: {  	v4 =	vand.u32 $0x7F, v4;
	v3 =	vor.u32 v5, v7;
	[tilespmem:$0xA10] =	vst v1;
	v1 =	vnsel vm7, $0x0, v63  }
0x39: {  	v0 =	vand.u32 $0xFFFFFF00, v13;
	v2 =	vor.u32 $0x80, v3;
	[tilespmem:$0x420] =	vst v3;
	v19 =	vshll.u32 v1, $0x1  }
0x3a: {  	v0 =	vor.u32 v4, v0;
	v1 =	vand.u32 $0x7F, v1;
	[tilespmem:$0x620] =	vst v2;
	v2 =	vand.u32 $0xFFFFFF00, v19  }
0x3b: {  	v4 =	vand.u32 $0x7F, v15;
	v3 =	vor.u32 $0x80, v0;
	[tilespmem:$0x820] =	vst v0;
	v0 =	vor.u32 v1, v2;
	v2 =	vld [tilespmem:$0x250]  }
0x3c: {  	vm12 =	vlt.s32 v24, $0xF4200;
	v6 =	vshll.u32 v25, $0x1;
	v4 =	vor.u32 v4, v18;
	[tilespmem:$0xA20] =	vst v3  }
0x3d: {  	v5 =	vnsel vm9, $0x0, v16;
	v1 =	vnsel vm8, $0x0, v14;
	v3 =	vor.u32 $0x80, v4;
	[tilespmem:$0x430] =	vst v4  }
0x3e: {  	v23 =	vshll.u32 v5, $0x1;
	v5 =	vand.u32 $0x7F, v5;
	v21 =	vshll.u32 v1, $0x1;
	[tilespmem:$0x630] =	vst v3  }
0x3f: {  	v22 =	vor.u32 $0x80, v0;
	v1 =	vand.u32 $0x7F, v1;
	[tilespmem:$0x830] =	vst v0;
	v7 =	vand.u32 $0xFFFFFF00, v21  }
0x40: {  	v26 =	vld [tilespmem:$0x260];
	v3 =	vand.u32 $0xFFFFFF00, v23;
	[tilespmem:$0xA30] =	vst v22;
	v0 =	vor.u32 v1, v7;
	vm11 =	vlt.s32 v2, $0xF4200  }
0x41: {  	v4 =	vand.u32 $0x7F, v25;
	v1 =	vor.u32 v5, v3;
	[tilespmem:$0x440] =	vst v0;
	v2 =	vnsel vm11, $0x0, v2  }
0x42: {  	v3 =	vor.u32 $0x80, v0;
	v0 =	vor.u32 $0x80, v1;
	[tilespmem:$0x840] =	vst v1;
	v27 =	vshll.u32 v2, $0x1  }
0x43: {  	v28 =	vld [tilespmem:$0x70];
	[tilespmem:$0x640] =	vst v3;
	v3 =	vand.u32 $0xFFFFFF00, v6;
	v2 =	vand.u32 $0x7F, v2;
	v1 =	vand.u32 $0xFFFFFF00, v27  }
0x44: {  	[tilespmem:$0xA40] =	vst v0;
	v0 =	vor.u32 v4, v3;
	v1 =	vor.u32 v2, v1;
	v2 =	vnsel vm12, $0x0, v24  }
0x45: {  	v29 =	vld [tilespmem:$0x270];
	vm13 =	vlt.s32 v26, $0xF4200;
	[tilespmem:$0x450] =	vst v0;
	v0 =	vor.u32 $0x80, v0;
	v3 =	vshll.u32 v2, $0x1  }
0x46: {  	[tilespmem:$0x650] =	vst v0;
	v0 =	vnsel vm13, $0x0, v26;
	v2 =	vand.u32 $0x7F, v2;
	v3 =	vand.u32 $0xFFFFFF00, v3  }
0x47: {  	[tilespmem:$0x850] =	vst v1;
	v1 =	vor.u32 $0x80, v1;
	v2 =	vor.u32 v2, v3;
	v3 =	vshll.u32 v0, $0x1  }
0x48: {  	vm14 =	vlt.s32 v28, $0xF4200;
	[tilespmem:$0xA50] =	vst v1;
	v0 =	vand.u32 $0x7F, v0;
	v1 =	vand.u32 $0xFFFFFF00, v3  }
0x49: {  	[tilespmem:$0x460] =	vst v2;
	v0 =	vor.u32 v0, v1;
	v1 =	vor.u32 $0x80, v2;
	v2 =	vnsel vm14, $0x0, v28  }
0x4a: {  	vm15 =	vlt.s32 v29, $0xF4200;
	[tilespmem:$0x660] =	vst v1;
	v1 =	vor.u32 $0x80, v0;
	v3 =	vshll.u32 v2, $0x1  }
0x4b: {  	[tilespmem:$0x860] =	vst v0;
	v0 =	vnsel vm15, $0x0, v29;
	v2 =	vand.u32 $0x7F, v2;
	v3 =	vand.u32 $0xFFFFFF00, v3  }
0x4c: {  	[tilespmem:$0xA60] =	vst v1;
	v1 =	vor.u32 v2, v3;
	v2 =	vshll.u32 v0, $0x1  }
0x4d: {  	v0 =	vand.u32 $0x7F, v0;
	v2 =	vand.u32 $0xFFFFFF00, v2;
	[tilespmem:$0x470] =	vst v1;
	v1 =	vor.u32 $0x80, v1  }
0x4e: {  	v0 =	vor.u32 v0, v2;
	[tilespmem:$0x670] =	vst v1  }
0x4f: {  	[tilespmem:$0x870] =	vst v0;
	v0 =	vor.u32 $0x80, v0  }
0x50: {  	s16 =	simm.s32 $0x400;
	s2 =	simm.s32 $0xC00;
	[tilespmem:$0xA70] =	vst v0  }
0x51: {  	[tilespmem:s2], [sflag:$0x1] =	stream.indirect.gather [hbm4b:s3+s13], $0x1, s16, s13, $0xb8;
	[tilespmem:$0x1710] =	vst v63  }
0x52: {  	s10 =	simm.s32 $0x600;
	s14 =	simm.s32 $0xE00  }
0x53: {  	[tilespmem:s14], [sflag:$0x1] =	stream.indirect.gather [hbm4b:s3+s13], $0x1, s10, s13, $0xb8;
	[tilespmem:$0x1710] =	vst v63  }
0x54: {  	s15 =	simm.s32 $0x800;
	s16 =	simm.s32 $0x1000  }
0x55: {  	[tilespmem:s16], [sflag:$0x1] =	stream.indirect.gather [hbm4b:s4+s13], $0x1, s15, s13, $0xb8;
	[tilespmem:$0x1710] =	vst v63  }
0x56: {  	s10 =	simm.s32 $0xA00;
	s14 =	simm.s32 $0x1200  }
0x57: {  	[tilespmem:s14], [sflag:$0x1] =	stream.indirect.gather [hbm4b:s4+s13], $0x1, s10, s13, $0xb8;
	[tilespmem:$0x1710] =	vst v63  }
0x58: {  	v0 =	vld [tilespmem:$0x80]  }
0x59: {  	v1 =	vld [tilespmem:$0x280]  }
0x5a: {  	v2 =	vld [tilespmem:$0x90]  }
0x5b: {  	v3 =	vld [tilespmem:$0x290]  }
0x5c: {  	v32 =	vld [tilespmem:$0xA0]  }
0x5d: {  	v33 =	vld [tilespmem:$0x2A0]  }
0x5e: {  	v38 =	vld [tilespmem:$0xB0]  }
0x5f: {  	v39 =	vld [tilespmem:$0x2B0]  }
0x60: {  	v42 =	vld [tilespmem:$0xC0]  }
0x61: {  	v44 =	vld [tilespmem:$0x2C0]  }
0x62: {  	v48 =	vld [tilespmem:$0xD0];
	_ =	sdelay $0x1  }
0x63: {  	vm4 =	vlt.s32 v0, $0xF4200;
	vm5 =	vlt.s32 v1, $0xF4200;
	vm6 =	vlt.s32 v2, $0xF4200  }
0x64: {  	vm7 =	vlt.s32 v3, $0xF4200;
	vm8 =	vlt.s32 v32, $0xF4200;
	vm9 =	vlt.s32 v33, $0xF4200  }
0x65: {  	vm10 =	vlt.s32 v38, $0xF4200;
	vm11 =	vlt.s32 v39, $0xF4200;
	vm12 =	vlt.s32 v42, $0xF4200  }
0x66: {  	vm13 =	vlt.s32 v44, $0xF4200;
	vm14 =	vlt.s32 v48, $0xF4200;
	v0 =	vnsel vm4, $0x0, v0  }
0x67: {  	v1 =	vnsel vm5, $0x0, v1;
	v2 =	vnsel vm6, $0x0, v2;
	v3 =	vnsel vm7, $0x0, v3  }
0x68: {  	v5 =	vnsel vm8, $0x0, v32;
	v43 =	vnsel vm10, $0x0, v38;
	v30 =	vshll.u32 v0, $0x1  }
0x69: {  	v0 =	vand.u32 $0x7F, v0;
	v31 =	vshll.u32 v1, $0x1;
	v4 =	vand.u32 $0xFFFFFF00, v30  }
0x6a: {  	v1 =	vand.u32 $0x7F, v1;
	v35 =	vshll.u32 v2, $0x1;
	v0 =	vor.u32 v0, v4  }
0x6b: {  	v37 =	vshll.u32 v3, $0x1;
	v4 =	vand.u32 $0xFFFFFF00, v31;
	v34 =	vor.u32 $0x80, v0;
	[tilespmem:$0x480] =	vst v0  }
0x6c: {  	v2 =	vand.u32 $0x7F, v2;
	v7 =	vand.u32 $0xFFFFFF00, v35;
	v1 =	vor.u32 v1, v4;
	[tilespmem:$0x680] =	vst v34  }
0x6d: {  	v3 =	vand.u32 $0x7F, v3;
	v9 =	vand.u32 $0xFFFFFF00, v37;
	v0 =	vor.u32 v2, v7;
	[tilespmem:$0x880] =	vst v1  }
0x6e: {  	v53 =	vnsel vm14, $0x0, v48;
	v40 =	vshll.u32 v5, $0x1;
	v2 =	vor.u32 v3, v9;
	[tilespmem:$0x490] =	vst v0  }
0x6f: {  	v5 =	vand.u32 $0x7F, v5;
	v45 =	vshll.u32 v43, $0x1;
	v36 =	vor.u32 $0x80, v1;
	[tilespmem:$0x890] =	vst v2  }
0x70: {  	v46 =	vand.u32 $0xFFFFFF00, v45;
	v4 =	vnsel vm9, $0x0, v33;
	v3 =	vor.u32 $0x80, v0;
	[tilespmem:$0xA80] =	vst v36  }
0x71: {  	v52 =	vld [tilespmem:$0xE0];
	v7 =	vand.u32 $0xFFFFFF00, v40;
	v1 =	vor.u32 $0x80, v2;
	v41 =	vshll.u32 v4, $0x1;
	[tilespmem:$0x690] =	vst v3  }
0x72: {  	v4 =	vand.u32 $0x7F, v4;
	v3 =	vor.u32 v5, v7;
	[tilespmem:$0xA90] =	vst v1;
	v1 =	vnsel vm11, $0x0, v39  }
0x73: {  	v0 =	vand.u32 $0xFFFFFF00, v41;
	v2 =	vor.u32 $0x80, v3;
	[tilespmem:$0x4A0] =	vst v3;
	v47 =	vshll.u32 v1, $0x1  }
0x74: {  	v0 =	vor.u32 v4, v0;
	v1 =	vand.u32 $0x7F, v1;
	[tilespmem:$0x6A0] =	vst v2;
	v2 =	vand.u32 $0xFFFFFF00, v47  }
0x75: {  	v4 =	vand.u32 $0x7F, v43;
	v3 =	vor.u32 $0x80, v0;
	[tilespmem:$0x8A0] =	vst v0;
	v0 =	vor.u32 v1, v2;
	v2 =	vld [tilespmem:$0x2D0]  }
0x76: {  	vm4 =	vlt.s32 v52, $0xF4200;
	v6 =	vshll.u32 v53, $0x1;
	v4 =	vor.u32 v4, v46;
	[tilespmem:$0xAA0] =	vst v3  }
0x77: {  	v5 =	vnsel vm13, $0x0, v44;
	v1 =	vnsel vm12, $0x0, v42;
	v3 =	vor.u32 $0x80, v4;
	[tilespmem:$0x4B0] =	vst v4  }
0x78: {  	v51 =	vshll.u32 v5, $0x1;
	v5 =	vand.u32 $0x7F, v5;
	v49 =	vshll.u32 v1, $0x1;
	[tilespmem:$0x6B0] =	vst v3  }
0x79: {  	v50 =	vor.u32 $0x80, v0;
	v1 =	vand.u32 $0x7F, v1;
	[tilespmem:$0x8B0] =	vst v0;
	v7 =	vand.u32 $0xFFFFFF00, v49  }
0x7a: {  	v54 =	vld [tilespmem:$0x2E0];
	v3 =	vand.u32 $0xFFFFFF00, v51;
	[tilespmem:$0xAB0] =	vst v50;
	v0 =	vor.u32 v1, v7;
	vm15 =	vlt.s32 v2, $0xF4200  }
0x7b: {  	v4 =	vand.u32 $0x7F, v53;
	v1 =	vor.u32 v5, v3;
	[tilespmem:$0x4C0] =	vst v0;
	v2 =	vnsel vm15, $0x0, v2  }
0x7c: {  	v3 =	vor.u32 $0x80, v0;
	v0 =	vor.u32 $0x80, v1;
	[tilespmem:$0x8C0] =	vst v1;
	v55 =	vshll.u32 v2, $0x1  }
0x7d: {  	v56 =	vld [tilespmem:$0xF0];
	[tilespmem:$0x6C0] =	vst v3;
	v3 =	vand.u32 $0xFFFFFF00, v6;
	v2 =	vand.u32 $0x7F, v2;
	v1 =	vand.u32 $0xFFFFFF00, v55  }
0x7e: {  	[tilespmem:$0xAC0] =	vst v0;
	v0 =	vor.u32 v4, v3;
	v1 =	vor.u32 v2, v1;
	v2 =	vnsel vm4, $0x0, v52  }
0x7f: {  	v57 =	vld [tilespmem:$0x2F0];
	vm5 =	vlt.s32 v54, $0xF4200;
	[tilespmem:$0x4D0] =	vst v0;
	v0 =	vor.u32 $0x80, v0;
	v3 =	vshll.u32 v2, $0x1  }
0x80: {  	[tilespmem:$0x6D0] =	vst v0;
	v0 =	vnsel vm5, $0x0, v54;
	v2 =	vand.u32 $0x7F, v2;
	v3 =	vand.u32 $0xFFFFFF00, v3  }
0x81: {  	[tilespmem:$0x8D0] =	vst v1;
	v1 =	vor.u32 $0x80, v1;
	v2 =	vor.u32 v2, v3;
	v3 =	vshll.u32 v0, $0x1  }
0x82: {  	vm6 =	vlt.s32 v56, $0xF4200;
	[tilespmem:$0xAD0] =	vst v1;
	v0 =	vand.u32 $0x7F, v0;
	v1 =	vand.u32 $0xFFFFFF00, v3  }
0x83: {  	[tilespmem:$0x4E0] =	vst v2;
	v0 =	vor.u32 v0, v1;
	v1 =	vor.u32 $0x80, v2;
	v2 =	vnsel vm6, $0x0, v56  }
0x84: {  	vm7 =	vlt.s32 v57, $0xF4200;
	[tilespmem:$0x6E0] =	vst v1;
	v1 =	vor.u32 $0x80, v0;
	v3 =	vshll.u32 v2, $0x1  }
0x85: {  	[tilespmem:$0x8E0] =	vst v0;
	v0 =	vnsel vm7, $0x0, v57;
	v2 =	vand.u32 $0x7F, v2;
	v3 =	vand.u32 $0xFFFFFF00, v3  }
0x86: {  	[tilespmem:$0xAE0] =	vst v1;
	v1 =	vor.u32 v2, v3;
	v2 =	vshll.u32 v0, $0x1  }
0x87: {  	v0 =	vand.u32 $0x7F, v0;
	v2 =	vand.u32 $0xFFFFFF00, v2;
	[tilespmem:$0x4F0] =	vst v1;
	v1 =	vor.u32 $0x80, v1  }
0x88: {  	v0 =	vor.u32 v0, v2;
	[tilespmem:$0x6F0] =	vst v1  }
0x89: {  	[tilespmem:$0x8F0] =	vst v0;
	v0 =	vor.u32 $0x80, v0  }
0x8a: {  	s15 =	simm.s32 $0x480;
	s16 =	simm.s32 $0xC80;
	[tilespmem:$0xAF0] =	vst v0  }
0x8b: {  	[tilespmem:s16], [sflag:$0x1] =	stream.indirect.gather [hbm4b:s3+s13], $0x1, s15, s13, $0xb8;
	[tilespmem:$0x1710] =	vst v63  }
0x8c: {  	s10 =	simm.s32 $0x680;
	s14 =	simm.s32 $0xE80  }
0x8d: {  	[tilespmem:s14], [sflag:$0x1] =	stream.indirect.gather [hbm4b:s3+s13], $0x1, s10, s13, $0xb8;
	[tilespmem:$0x1710] =	vst v63  }
0x8e: {  	s15 =	simm.s32 $0x880;
	s16 =	simm.s32 $0x1080  }
0x8f: {  	[tilespmem:s16], [sflag:$0x1] =	stream.indirect.gather [hbm4b:s4+s13], $0x1, s15, s13, $0xb8;
	[tilespmem:$0x1710] =	vst v63  }
0x90: {  	s10 =	simm.s32 $0xA80;
	s14 =	simm.s32 $0x1280  }
0x91: {  	[tilespmem:s14], [sflag:$0x1] =	stream.indirect.gather [hbm4b:s4+s13], $0x1, s10, s13, $0xb8;
	[tilespmem:$0x1710] =	vst v63  }
0x92: {  	v0 =	vld [tilespmem:$0x100]  }
0x93: {  	v1 =	vld [tilespmem:$0x300]  }
0x94: {  	v2 =	vld [tilespmem:$0x110]  }
0x95: {  	v3 =	vld [tilespmem:$0x310]  }
0x96: {  	v60 =	vld [tilespmem:$0x120]  }
0x97: {  	v61 =	vld [tilespmem:$0x320]  }
0x98: {  	v14 =	vld [tilespmem:$0x130]  }
0x99: {  	v15 =	vld [tilespmem:$0x330]  }
0x9a: {  	v18 =	vld [tilespmem:$0x140]  }
0x9b: {  	v20 =	vld [tilespmem:$0x340]  }
0x9c: {  	v24 =	vld [tilespmem:$0x150];
	_ =	sdelay $0x1  }
0x9d: {  	vm8 =	vlt.s32 v0, $0xF4200;
	vm9 =	vlt.s32 v1, $0xF4200;
	vm10 =	vlt.s32 v2, $0xF4200  }
0x9e: {  	vm11 =	vlt.s32 v3, $0xF4200;
	vm12 =	vlt.s32 v60, $0xF4200;
	vm13 =	vlt.s32 v61, $0xF4200  }
0x9f: {  	vm14 =	vlt.s32 v14, $0xF4200;
	vm15 =	vlt.s32 v15, $0xF4200;
	vm4 =	vlt.s32 v18, $0xF4200  }
0xa0: {  	vm5 =	vlt.s32 v20, $0xF4200;
	vm6 =	vlt.s32 v24, $0xF4200;
	v0 =	vnsel vm8, $0x0, v0  }
0xa1: {  	v1 =	vnsel vm9, $0x0, v1;
	v2 =	vnsel vm10, $0x0, v2;
	v3 =	vnsel vm11, $0x0, v3  }
0xa2: {  	v5 =	vnsel vm12, $0x0, v60;
	v19 =	vnsel vm14, $0x0, v14;
	v58 =	vshll.u32 v0, $0x1  }
0xa3: {  	v0 =	vand.u32 $0x7F, v0;
	v59 =	vshll.u32 v1, $0x1;
	v4 =	vand.u32 $0xFFFFFF00, v58  }
0xa4: {  	v1 =	vand.u32 $0x7F, v1;
	v63 =	vshll.u32 v2, $0x1;
	v0 =	vor.u32 v0, v4  }
0xa5: {  	v13 =	vshll.u32 v3, $0x1;
	v4 =	vand.u32 $0xFFFFFF00, v59;
	v62 =	vor.u32 $0x80, v0;
	[tilespmem:$0x500] =	vst v0  }
0xa6: {  	v2 =	vand.u32 $0x7F, v2;
	v7 =	vand.u32 $0xFFFFFF00, v63;
	v1 =	vor.u32 v1, v4;
	[tilespmem:$0x700] =	vst v62  }
0xa7: {  	v3 =	vand.u32 $0x7F, v3;
	v9 =	vand.u32 $0xFFFFFF00, v13;
	v0 =	vor.u32 v2, v7;
	[tilespmem:$0x900] =	vst v1  }
0xa8: {  	v29 =	vnsel vm6, $0x0, v24;
	v16 =	vshll.u32 v5, $0x1;
	v2 =	vor.u32 v3, v9;
	[tilespmem:$0x510] =	vst v0  }
0xa9: {  	v5 =	vand.u32 $0x7F, v5;
	v21 =	vshll.u32 v19, $0x1;
	v12 =	vor.u32 $0x80, v1;
	[tilespmem:$0x910] =	vst v2  }
0xaa: {  	v22 =	vand.u32 $0xFFFFFF00, v21;
	v4 =	vnsel vm13, $0x0, v61;
	v3 =	vor.u32 $0x80, v0;
	[tilespmem:$0xB00] =	vst v12  }
0xab: {  	v28 =	vld [tilespmem:$0x160];
	v7 =	vand.u32 $0xFFFFFF00, v16;
	v1 =	vor.u32 $0x80, v2;
	v17 =	vshll.u32 v4, $0x1;
	[tilespmem:$0x710] =	vst v3  }
0xac: {  	v4 =	vand.u32 $0x7F, v4;
	v3 =	vor.u32 v5, v7;
	[tilespmem:$0xB10] =	vst v1;
	v1 =	vnsel vm15, $0x0, v15  }
0xad: {  	v0 =	vand.u32 $0xFFFFFF00, v17;
	v2 =	vor.u32 $0x80, v3;
	[tilespmem:$0x520] =	vst v3;
	v23 =	vshll.u32 v1, $0x1  }
0xae: {  	v0 =	vor.u32 v4, v0;
	v1 =	vand.u32 $0x7F, v1;
	[tilespmem:$0x720] =	vst v2;
	v2 =	vand.u32 $0xFFFFFF00, v23  }
0xaf: {  	v4 =	vand.u32 $0x7F, v19;
	v3 =	vor.u32 $0x80, v0;
	[tilespmem:$0x920] =	vst v0;
	v0 =	vor.u32 v1, v2;
	v2 =	vld [tilespmem:$0x350]  }
0xb0: {  	vm8 =	vlt.s32 v28, $0xF4200;
	v6 =	vshll.u32 v29, $0x1;
	v4 =	vor.u32 v4, v22;
	[tilespmem:$0xB20] =	vst v3  }
0xb1: {  	v5 =	vnsel vm5, $0x0, v20;
	v1 =	vnsel vm4, $0x0, v18;
	v3 =	vor.u32 $0x80, v4;
	[tilespmem:$0x530] =	vst v4  }
0xb2: {  	v27 =	vshll.u32 v5, $0x1;
	v5 =	vand.u32 $0x7F, v5;
	v25 =	vshll.u32 v1, $0x1;
	[tilespmem:$0x730] =	vst v3  }
0xb3: {  	v26 =	vor.u32 $0x80, v0;
	v1 =	vand.u32 $0x7F, v1;
	[tilespmem:$0x930] =	vst v0;
	v7 =	vand.u32 $0xFFFFFF00, v25  }
0xb4: {  	v30 =	vld [tilespmem:$0x360];
	v3 =	vand.u32 $0xFFFFFF00, v27;
	[tilespmem:$0xB30] =	vst v26;
	v0 =	vor.u32 v1, v7;
	vm7 =	vlt.s32 v2, $0xF4200  }
0xb5: {  	v4 =	vand.u32 $0x7F, v29;
	v1 =	vor.u32 v5, v3;
	[tilespmem:$0x540] =	vst v0;
	v2 =	vnsel vm7, $0x0, v2  }
0xb6: {  	v3 =	vor.u32 $0x80, v0;
	v0 =	vor.u32 $0x80, v1;
	[tilespmem:$0x940] =	vst v1;
	v31 =	vshll.u32 v2, $0x1  }
0xb7: {  	v32 =	vld [tilespmem:$0x170];
	[tilespmem:$0x740] =	vst v3;
	v3 =	vand.u32 $0xFFFFFF00, v6;
	v2 =	vand.u32 $0x7F, v2;
	v1 =	vand.u32 $0xFFFFFF00, v31  }
0xb8: {  	[tilespmem:$0xB40] =	vst v0;
	v0 =	vor.u32 v4, v3;
	v1 =	vor.u32 v2, v1;
	v2 =	vnsel vm8, $0x0, v28  }
0xb9: {  	v33 =	vld [tilespmem:$0x370];
	vm9 =	vlt.s32 v30, $0xF4200;
	[tilespmem:$0x550] =	vst v0;
	v0 =	vor.u32 $0x80, v0;
	v3 =	vshll.u32 v2, $0x1  }
0xba: {  	[tilespmem:$0x750] =	vst v0;
	v0 =	vnsel vm9, $0x0, v30;
	v2 =	vand.u32 $0x7F, v2;
	v3 =	vand.u32 $0xFFFFFF00, v3  }
0xbb: {  	[tilespmem:$0x950] =	vst v1;
	v1 =	vor.u32 $0x80, v1;
	v2 =	vor.u32 v2, v3;
	v3 =	vshll.u32 v0, $0x1  }
0xbc: {  	vm10 =	vlt.s32 v32, $0xF4200;
	[tilespmem:$0xB50] =	vst v1;
	v0 =	vand.u32 $0x7F, v0;
	v1 =	vand.u32 $0xFFFFFF00, v3  }
0xbd: {  	[tilespmem:$0x560] =	vst v2;
	v0 =	vor.u32 v0, v1;
	v1 =	vor.u32 $0x80, v2;
	v2 =	vnsel vm10, $0x0, v32  }
0xbe: {  	vm11 =	vlt.s32 v33, $0xF4200;
	[tilespmem:$0x760] =	vst v1;
	v1 =	vor.u32 $0x80, v0;
	v3 =	vshll.u32 v2, $0x1  }
0xbf: {  	[tilespmem:$0x960] =	vst v0;
	v0 =	vnsel vm11, $0x0, v33;
	v2 =	vand.u32 $0x7F, v2;
	v3 =	vand.u32 $0xFFFFFF00, v3  }
0xc0: {  	[tilespmem:$0xB60] =	vst v1;
	v1 =	vor.u32 v2, v3;
	v2 =	vshll.u32 v0, $0x1  }
0xc1: {  	v0 =	vand.u32 $0x7F, v0;
	v2 =	vand.u32 $0xFFFFFF00, v2;
	[tilespmem:$0x570] =	vst v1;
	v1 =	vor.u32 $0x80, v1  }
0xc2: {  	v0 =	vor.u32 v0, v2;
	[tilespmem:$0x770] =	vst v1  }
0xc3: {  	[tilespmem:$0x970] =	vst v0;
	v0 =	vor.u32 $0x80, v0  }
0xc4: {  	s15 =	simm.s32 $0x500;
	s16 =	simm.s32 $0xD00;
	[tilespmem:$0xB70] =	vst v0  }
0xc5: {  	[tilespmem:s16], [sflag:$0x1] =	stream.indirect.gather [hbm4b:s3+s13], $0x1, s15, s13, $0xb8;
	[tilespmem:$0x1710] =	vst v63  }
0xc6: {  	s2 =	simm.s32 $0x700;
	s10 =	simm.s32 $0xF00  }
0xc7: {  	[tilespmem:s10], [sflag:$0x1] =	stream.indirect.gather [hbm4b:s3+s13], $0x1, s2, s13, $0xb8;
	[tilespmem:$0x1710] =	vst v63  }
0xc8: {  	s14 =	simm.s32 $0x900;
	s15 =	simm.s32 $0x1100  }
0xc9: {  	[tilespmem:s15], [sflag:$0x1] =	stream.indirect.gather [hbm4b:s4+s13], $0x1, s14, s13, $0xb8;
	[tilespmem:$0x1710] =	vst v63  }
0xca: {  	s16 =	simm.s32 $0xB00  }
0xcb: {  	[tilespmem:s17], [sflag:$0x1] =	stream.indirect.gather [hbm4b:s4+s13], $0x1, s16, s13, $0xb8;
	[tilespmem:$0x1710] =	vst v63  }
0xcc: {  	v0 =	vld [tilespmem:$0x180]  }
0xcd: {  	v1 =	vld [tilespmem:$0x380]  }
0xce: {  	v2 =	vld [tilespmem:$0x190]  }
0xcf: {  	v3 =	vld [tilespmem:$0x390]  }
0xd0: {  	v36 =	vld [tilespmem:$0x1A0]  }
0xd1: {  	v37 =	vld [tilespmem:$0x3A0]  }
0xd2: {  	v42 =	vld [tilespmem:$0x1B0]  }
0xd3: {  	v43 =	vld [tilespmem:$0x3B0]  }
0xd4: {  	v46 =	vld [tilespmem:$0x1C0]  }
0xd5: {  	v48 =	vld [tilespmem:$0x3C0]  }
0xd6: {  	v52 =	vld [tilespmem:$0x1D0];
	_ =	sdelay $0x1  }
0xd7: {  	vm12 =	vlt.s32 v0, $0xF4200;
	vm13 =	vlt.s32 v1, $0xF4200;
	vm14 =	vlt.s32 v2, $0xF4200  }
0xd8: {  	vm15 =	vlt.s32 v3, $0xF4200;
	vm4 =	vlt.s32 v36, $0xF4200;
	vm5 =	vlt.s32 v37, $0xF4200  }
0xd9: {  	vm6 =	vlt.s32 v42, $0xF4200;
	vm7 =	vlt.s32 v43, $0xF4200;
	vm8 =	vlt.s32 v46, $0xF4200  }
0xda: {  	vm9 =	vlt.s32 v48, $0xF4200;
	vm10 =	vlt.s32 v52, $0xF4200;
	v0 =	vnsel vm12, $0x0, v0  }
0xdb: {  	v1 =	vnsel vm13, $0x0, v1;
	v2 =	vnsel vm14, $0x0, v2;
	v3 =	vnsel vm15, $0x0, v3  }
0xdc: {  	v5 =	vnsel vm4, $0x0, v36;
	v47 =	vnsel vm6, $0x0, v42;
	v34 =	vshll.u32 v0, $0x1  }
0xdd: {  	v56 =	vld [tilespmem:$0x1E0];
	v0 =	vand.u32 $0x7F, v0;
	v35 =	vshll.u32 v1, $0x1;
	v4 =	vand.u32 $0xFFFFFF00, v34  }
0xde: {  	v1 =	vand.u32 $0x7F, v1;
	v39 =	vshll.u32 v2, $0x1;
	v0 =	vor.u32 v0, v4  }
0xdf: {  	v41 =	vshll.u32 v3, $0x1;
	v4 =	vand.u32 $0xFFFFFF00, v35;
	v38 =	vor.u32 $0x80, v0;
	[tilespmem:$0x580] =	vst v0  }
0xe0: {  	v2 =	vand.u32 $0x7F, v2;
	v7 =	vand.u32 $0xFFFFFF00, v39;
	v1 =	vor.u32 v1, v4;
	[tilespmem:$0x780] =	vst v38  }
0xe1: {  	v3 =	vand.u32 $0x7F, v3;
	v9 =	vand.u32 $0xFFFFFF00, v41;
	v0 =	vor.u32 v2, v7;
	[tilespmem:$0x980] =	vst v1  }
0xe2: {  	v57 =	vnsel vm10, $0x0, v52;
	vm12 =	vlt.s32 v56, $0xF4200;
	v2 =	vor.u32 v3, v9;
	[tilespmem:$0x590] =	vst v0  }
0xe3: {  	v44 =	vshll.u32 v5, $0x1;
	v49 =	vshll.u32 v47, $0x1;
	v40 =	vor.u32 $0x80, v1;
	[tilespmem:$0x990] =	vst v2  }
0xe4: {  	v5 =	vand.u32 $0x7F, v5;
	v50 =	vand.u32 $0xFFFFFF00, v49;
	v3 =	vor.u32 $0x80, v0;
	[tilespmem:$0xB80] =	vst v40  }
0xe5: {  	v58 =	vld [tilespmem:$0x3E0];
	v4 =	vnsel vm5, $0x0, v37;
	v7 =	vand.u32 $0xFFFFFF00, v44;
	v1 =	vor.u32 $0x80, v2;
	[tilespmem:$0x790] =	vst v3  }
0xe6: {  	v45 =	vshll.u32 v4, $0x1;
	v4 =	vand.u32 $0x7F, v4;
	v3 =	vor.u32 v5, v7;
	[tilespmem:$0xB90] =	vst v1  }
0xe7: {  	v60 =	vld [tilespmem:$0x1F0];
	v0 =	vand.u32 $0xFFFFFF00, v45;
	v1 =	vnsel vm7, $0x0, v43;
	v2 =	vor.u32 $0x80, v3;
	[tilespmem:$0x5A0] =	vst v3  }
0xe8: {  	v0 =	vor.u32 v4, v0;
	v4 =	vand.u32 $0x7F, v47;
	v51 =	vshll.u32 v1, $0x1;
	[tilespmem:$0x7A0] =	vst v2  }
0xe9: {  	v1 =	vand.u32 $0x7F, v1;
	v3 =	vor.u32 $0x80, v0;
	v2 =	vand.u32 $0xFFFFFF00, v51;
	[tilespmem:$0x9A0] =	vst v0  }
0xea: {  	vm13 =	vlt.s32 v58, $0xF4200;
	v4 =	vor.u32 v4, v50;
	v0 =	vor.u32 v1, v2;
	v2 =	vld [tilespmem:$0x3D0];
	[tilespmem:$0xBA0] =	vst v3  }
0xeb: {  	v5 =	vnsel vm9, $0x0, v48;
	v1 =	vnsel vm8, $0x0, v46;
	v3 =	vor.u32 $0x80, v4;
	[tilespmem:$0x5B0] =	vst v4  }
0xec: {  	vm14 =	vlt.s32 v60, $0xF4200;
	v55 =	vshll.u32 v5, $0x1;
	v53 =	vshll.u32 v1, $0x1;
	[tilespmem:$0x7B0] =	vst v3  }
0xed: {  	v54 =	vor.u32 $0x80, v0;
	v1 =	vand.u32 $0x7F, v1;
	[tilespmem:$0x9B0] =	vst v0;
	v7 =	vand.u32 $0xFFFFFF00, v53  }
0xee: {  	v5 =	vand.u32 $0x7F, v5;
	v3 =	vand.u32 $0xFFFFFF00, v55;
	[tilespmem:$0xBB0] =	vst v54;
	v0 =	vor.u32 v1, v7  }
0xef: {  	v6 =	vshll.u32 v57, $0x1;
	v1 =	vor.u32 v5, v3;
	[tilespmem:$0x5C0] =	vst v0;
	vm11 =	vlt.s32 v2, $0xF4200  }
0xf0: {  	v4 =	vand.u32 $0x7F, v57;
	v3 =	vor.u32 $0x80, v0;
	[tilespmem:$0x9C0] =	vst v1;
	v2 =	vnsel vm11, $0x0, v2  }
0xf1: {  	v0 =	vor.u32 $0x80, v1;
	[tilespmem:$0x7C0] =	vst v3;
	v3 =	vand.u32 $0xFFFFFF00, v6;
	v59 =	vshll.u32 v2, $0x1  }
0xf2: {  	[tilespmem:$0xBC0] =	vst v0;
	v0 =	vor.u32 v4, v3;
	v3 =	vld [tilespmem:$0x3F0];
	v2 =	vand.u32 $0x7F, v2;
	v1 =	vand.u32 $0xFFFFFF00, v59  }
0xf3: {  	[tilespmem:$0x5D0] =	vst v0;
	v0 =	vor.u32 $0x80, v0;
	v1 =	vor.u32 v2, v1;
	v2 =	vnsel vm12, $0x0, v56  }
0xf4: {  	v63 =	vnsel vm14, $0x0, v60;
	[tilespmem:$0x7D0] =	vst v0;
	v0 =	vnsel vm13, $0x0, v58;
	v61 =	vshll.u32 v2, $0x1  }
0xf5: {  	v2 =	vand.u32 $0x7F, v2;
	[tilespmem:$0x9D0] =	vst v1;
	v1 =	vor.u32 $0x80, v1;
	v4 =	vand.u32 $0xFFFFFF00, v61  }
0xf6: {  	v62 =	vshll.u32 v0, $0x1;
	v0 =	vand.u32 $0x7F, v0;
	[tilespmem:$0xBD0] =	vst v1;
	v2 =	vor.u32 v2, v4  }
0xf7: {  	v1 =	vand.u32 $0xFFFFFF00, v62;
	vm15 =	vlt.s32 v3, $0xF4200;
	[tilespmem:$0x5E0] =	vst v2;
	v2 =	vor.u32 $0x80, v2  }
0xf8: {  	v0 =	vor.u32 v0, v1;
	v1 =	vnsel vm15, $0x0, v3;
	[tilespmem:$0x7E0] =	vst v2;
	v2 =	vshll.u32 v63, $0x1  }
0xf9: {  	v3 =	vand.u32 $0x7F, v63;
	[tilespmem:$0x9E0] =	vst v0;
	v0 =	vor.u32 $0x80, v0;
	v2 =	vand.u32 $0xFFFFFF00, v2  }
0xfa: {  	[tilespmem:$0xBE0] =	vst v0;
	v0 =	vor.u32 v3, v2;
	v2 =	vshll.u32 v1, $0x1  }
0xfb: {  	v1 =	vand.u32 $0x7F, v1;
	v2 =	vand.u32 $0xFFFFFF00, v2;
	[tilespmem:$0x5F0] =	vst v0;
	v0 =	vor.u32 $0x80, v0  }
0xfc: {  	v1 =	vor.u32 v1, v2;
	[tilespmem:$0x7F0] =	vst v0  }
0xfd: {  	[tilespmem:$0x9F0] =	vst v1;
	v0 =	vor.u32 $0x80, v1  }
0xfe: {  	[tilespmem:$0xBF0] =	vst v0  }
0xff: {  	[tilespmem:s19], [sflag:$0x1] =	stream.indirect.gather [hbm4b:s3+s13], $0x1, s18, s13, $0xb8;
	[tilespmem:$0x1710] =	vst v63  }
0x100: {  	_ = 	snop  }
0x101: {  	[tilespmem:s21], [sflag:$0x1] =	stream.indirect.gather [hbm4b:s3+s13], $0x1, s20, s13, $0xb8;
	[tilespmem:$0x1710] =	vst v63  }
0x102: {  	_ = 	snop  }
0x103: {  	[tilespmem:s23], [sflag:$0x1] =	stream.indirect.gather [hbm4b:s4+s13], $0x1, s22, s13, $0xb8;
	[tilespmem:$0x1710] =	vst v63  }
0x104: {  	_ = 	snop  }
0x105: {  	[tilespmem:s25], [sflag:$0x1] =	stream.indirect.gather [hbm4b:s4+s13], $0x1, s24, s13, $0xb8;
	[tilespmem:$0x1710] =	vst v63  }
0x106: {  	_ =	swait.ge [sflag:s12], $0x80  }
0x107: {  	[sflag:s12] =	ssyncset.done $0x0  }
0x108: {  	[sflag:s12] =	ssyncadd.s32 $0xFFFFFF80  }
0x109: {  	_ =	swait.ge [sflag:s12], $0x80  }
0x10a: {  	[sflag:s12] =	ssyncset.done $0x0  }
0x10b: {  	[sflag:s12] =	ssyncadd.s32 $0xFFFFFF80  }
0x10c: {  	_ =	swait.ge [sflag:s12], $0x80  }
0x10d: {  	[sflag:s12] =	ssyncset.done $0x0  }
0x10e: {  	[sflag:s12] =	ssyncadd.s32 $0xFFFFFF80  }
0x10f: {  	_ =	swait.ge [sflag:s12], $0x80  }
0x110: {  	[sflag:s12] =	ssyncset.done $0x0  }
0x111: {  	[sflag:s12] =	ssyncadd.s32 $0xFFFFFF80  }
0x112: {  	_ =	swait.ge [sflag:s12], $0x80  }
0x113: {  	[sflag:s12] =	ssyncset.done $0x0  }
0x114: {  	[sflag:s12] =	ssyncadd.s32 $0xFFFFFF80  }
0x115: {  	_ =	swait.ge [sflag:s12], $0x80  }
0x116: {  	[sflag:s12] =	ssyncset.done $0x0  }
0x117: {  	[sflag:s12] =	ssyncadd.s32 $0xFFFFFF80  }
0x118: {  	_ =	swait.ge [sflag:s12], $0x80  }
0x119: {  	[sflag:s12] =	ssyncset.done $0x0  }
0x11a: {  	[sflag:s12] =	ssyncadd.s32 $0xFFFFFF80  }
0x11b: {  	_ =	swait.ge [sflag:s12], $0x80  }
0x11c: {  	[sflag:s12] =	ssyncset.done $0x0  }
0x11d: {  	[sflag:s12] =	ssyncadd.s32 $0xFFFFFF80  }
0x11e: {  	_ =	swait.ge [sflag:s12], $0x80  }
0x11f: {  	[sflag:s12] =	ssyncset.done $0x0  }
0x120: {  	[sflag:s12] =	ssyncadd.s32 $0xFFFFFF80  }
0x121: {  	_ =	swait.ge [sflag:s12], $0x80  }
0x122: {  	[sflag:s12] =	ssyncset.done $0x0  }
0x123: {  	[sflag:s12] =	ssyncadd.s32 $0xFFFFFF80  }
0x124: {  	_ =	swait.ge [sflag:s12], $0x80  }
0x125: {  	[sflag:s12] =	ssyncset.done $0x0  }
0x126: {  	[sflag:s12] =	ssyncadd.s32 $0xFFFFFF80  }
0x127: {  	_ =	swait.ge [sflag:s12], $0x80  }
0x128: {  	[sflag:s12] =	ssyncset.done $0x0  }
0x129: {  	[sflag:s12] =	ssyncadd.s32 $0xFFFFFF80  }
0x12a: {  	_ =	swait.ge [sflag:s12], $0x80  }
0x12b: {  	[sflag:s12] =	ssyncset.done $0x0  }
0x12c: {  	[sflag:s12] =	ssyncadd.s32 $0xFFFFFF80  }
0x12d: {  	_ =	swait.ge [sflag:s12], $0x80  }
0x12e: {  	[sflag:s12] =	ssyncset.done $0x0  }
0x12f: {  	[sflag:s12] =	ssyncadd.s32 $0xFFFFFF80  }
0x130: {  	_ =	swait.ge [sflag:s12], $0x80  }
0x131: {  	[sflag:s12] =	ssyncset.done $0x0  }
0x132: {  	[sflag:s12] =	ssyncadd.s32 $0xFFFFFF80  }
0x133: {  	_ =	swait.ge [sflag:s12], $0x80  }
0x134: {  	[sflag:s12] =	ssyncset.done $0x0  }
0x135: {  	[sflag:s12] =	ssyncadd.s32 $0xFFFFFF80  }
0x136: {  	v2 =	vld [tilespmem:$0x1400];
	_ =	sdelay $0x3  }
0x137: {  	s30 =	simm.s32 $0xFFFFFFFE;
	s31 =	simm.s32 $0x10  }
0x138: {  	s0 =	simm.s32 $0x210;
	s2 =	simm.s32 $0xC10;
	s10 =	simm.s32 $0xE10;
	v0 =	vbroadcast v2, $0x0  }
0x139: {  	s14 =	simm.s32 $0x1010;
	s15 =	simm.s32 $0x1210;
	s16 =	simm.s32 $0x1520;
	v1 =	vbroadcast v2, $0x1;
	v2 =	vbroadcast v2, $0x2  }
.LBB2_2:
0x13a: {  	v3 =	vld [tilespmem:s31+$0xFFFFFFF0];
	_ =	sdelay $0x1  }
0x13b: {  	v4 =	vld [tilespmem:s0+$0xFFFFFFF0];
	_ =	sdelay $0x2  }
0x13c: {  	vm0 =	vlt.s32 v3, $0xF4200  }
0x13d: {  	v3 =	vsel vm0, $0xF4200, v3  }
0x13e: {  	vm1 =	vlt.s32 v4, $0xF4200;
	v5 =	vadd.s32 $0xFFF0BE10, v3  }
0x13f: {  	v7 =	vld [tilespmem:s2+$0xFFFFFFF0];
	v4 =	vsel vm1, $0xF4200, v4;
	v3 =	vadd.s32 $0xFFF0BE50, v3  }
0x140: {  	v8 =	vld [tilespmem:s10+$0xFFFFFFF0];
	v6 =	vadd.s32 $0xFFF0BE90, v4  }
0x141: {  	v9 =	vld [tilespmem:s14+$0xFFFFFFF0];
	v4 =	vadd.s32 $0xFFF0BED0, v4  }
0x142: {  	v10 =	vld [tilespmem:s15+$0xFFFFFFF0]  }
0x143: {  	v5 =	vld.idx.msk [tilespmem:v5+s11+$0x0], $0xffff  }
0x144: {  	v3 =	vld.idx.msk [tilespmem:v3+s11+$0x0], $0xffff  }
0x145: {  	v6 =	vld.idx.msk [tilespmem:v6+s11+$0x0], $0xffff  }
0x146: {  	v4 =	vld.idx.msk [tilespmem:v4+s11+$0x0], $0xffff;
	_ =	sdelay $0x3  }
0x147: {  	v5 =	vsel vm0, v7, v5  }
0x148: {  	v3 =	vsel vm0, v8, v3;
	v6 =	vsel vm1, v9, v6;
	v4 =	vsel vm1, v10, v4  }
0x149: {  	v5 =	vadd.f32 v6, v5;
	v3 =	vadd.f32 v4, v3;
	_ =	sdelay $0x1  }
0x14a: {  	v55 =	vmul.f32 v5, v0;
	v3 =	vmul.f32 v3, v1;
	_ =	sdelay $0x1  }
0x14b: {  	v3 =	vadd.f32 v3, v55;
	_ =	sdelay $0x1  }
0x14c: {  	v3 =	vadd.f32 v3, v2;
	_ =	sdelay $0x1  }
0x14d: {  	[tilespmem:s16+$0xFFFFFFF0] =	vst v3  }
0x14e: {  	v3 =	vld [tilespmem:s31+$0x0];
	_ =	sdelay $0x1  }
0x14f: {  	v56 =	vld [tilespmem:s0+$0x0];
	_ =	sdelay $0x2  }
0x150: {  	vm14 =	vlt.s32 v3, $0xF4200  }
0x151: {  	v3 =	vsel vm14, $0xF4200, v3  }
0x152: {  	vm15 =	vlt.s32 v56, $0xF4200;
	v57 =	vadd.s32 $0xFFF0BE10, v3  }
0x153: {  	v59 =	vld [tilespmem:s2+$0x0];
	v4 =	vsel vm15, $0xF4200, v56;
	v3 =	vadd.s32 $0xFFF0BE50, v3  }
0x154: {  	v60 =	vld [tilespmem:s10+$0x0];
	v58 =	vadd.s32 $0xFFF0BE90, v4  }
0x155: {  	v61 =	vld [tilespmem:s14+$0x0];
	v4 =	vadd.s32 $0xFFF0BED0, v4  }
0x156: {  	v62 =	vld [tilespmem:s15+$0x0]  }
0x157: {  	v5 =	vld.idx.msk [tilespmem:v57+s11+$0x0], $0xffff  }
0x158: {  	v3 =	vld.idx.msk [tilespmem:v3+s11+$0x0], $0xffff  }
0x159: {  	v6 =	vld.idx.msk [tilespmem:v58+s11+$0x0], $0xffff  }
0x15a: {  	v4 =	vld.idx.msk [tilespmem:v4+s11+$0x0], $0xffff;
	_ =	sdelay $0x3  }
0x15b: {  	v5 =	vsel vm14, v59, v5  }
0x15c: {  	v3 =	vsel vm14, v60, v3;
	v6 =	vsel vm15, v61, v6;
	v4 =	vsel vm15, v62, v4  }
0x15d: {  	v5 =	vadd.f32 v6, v5;
	v3 =	vadd.f32 v4, v3;
	_ =	sdelay $0x1  }
0x15e: {  	s30 =	sadd.s32 $0x2, s30;
	v63 =	vmul.f32 v5, v0;
	v3 =	vmul.f32 v3, v1  }
0x15f: {  	p0 =	slt.u32 s30, $0x1E  }
.Ltmp0:
0x160: {  	v3 =	vadd.f32 v3, v63;
	(pc) =	sbr.rel @p0 .LBB2_2-.Ltmp0, $4  }
0x161: {  	_ = 	snop  }
0x162: {  	s31 =	sadd.s32 $0x20, s31;
	v3 =	vadd.f32 v3, v2  }
0x163: {  	s0 =	sadd.s32 $0x20, s0;
	s2 =	sadd.s32 $0x20, s2;
	s10 =	sadd.s32 $0x20, s10  }
0x164: {  	s14 =	sadd.s32 $0x20, s14;
	s15 =	sadd.s32 $0x20, s15;
	[tilespmem:s16+$0x0] =	vst v3;
	s16 =	sadd.s32 $0x20, s16  }
0x165: {  	s29 =	sadd.s32 $0x1, s29  }
0x166: {  	p0 =	sne.s32 s29, s9  }
.Ltmp1:
0x167: {  	_ = 	snop;
	(pc) =	sbr.rel @p0 .LBB2_1-.Ltmp1, $4  }
0x168: {  	[hbm4b:s8+s1] =	stream.linear.scatter [tilespmem:s26], [sflag:$0x2], $0x200, $0x38;
	[tilespmem:$0x1710] =	vst v63  }
0x169: {  	_ =	swait.ge [sflag:s28], $0x200  }
0x16a: {  	[sflag:s28] =	ssyncset.done $0x0  }
0x16b: {  	[sflag:s28] =	ssyncadd.s32 $0xFFFFFE00  }
0x16c: {  	_ =	sfence.sel $0x180000  }
0x16d: {  	[bflag:$0x0] =	sbarrier.arrive $0xFFFF  }
0x16e: {  	_ =	strace $0x90000047  }
0x16f: {  	s0 =	stileid.u32;
	[bflag:$0x2] =	sbarrier.arrive $0xFFFF  }
0x170: {  	p0 =	sne.s32 s0, $0x0;
	s0 =	rddreg [dreg:$0x4]  }
0x171: {  	s0 =	sadd.s32 @!p0 $0x100000, s0  }
0x172: {  	[sflag:s0] =	ssyncadd.tile.s32 @!p0 $0x1;
	_ =	shalt  }
.Lfunc_end2:
_tile_overlayer_lowered:
.L_overlay_start_2:
0x173: {  	(tag) =	ssettag $0x2  }
0x174: {  	s0 =	rddreg [dreg:$0x0];
	s2 =	stileid.u32  }
0x175: {  	s1 =	rddreg [dreg:$0x1];
	p0 =	sne.s32 s2, $0x0  }
0x176: {  	s3 =	rddreg [dreg:$0x2];
	[bflag:$0x3] =	sbarrier.arrive $0xFFFF;
	s2 =	simm.s32 @!p0 $0x1C02  }
0x177: {  	[timem:s3], [sflag:s2] =	dma.local @!p0 [hbm:s0], s1  }
0x178: {  	s0 =	simm.s32 @!p0 $0x2  }
0x179: {  	_ =	swait.ge @!p0 [sflag:s0], s1  }
0x17a: {  	s1 =	ssub.s32 @!p0 $0x0, s1;
	[sflag:s0] =	ssyncset.done @!p0 $0x0  }
0x17b: {  	[sflag:s0] =	ssyncadd.s32 @!p0 s1  }
0x17c: {  	[bflag:$0x3] =	sbarrier.arrive $0xFFFF  }
0x17d: {  	_ =	shalt  }

</sc_bundles>
